<compile_context>
chip_gen: v7x
topology: tpu7x:2x2x1
jax: 0.10.2.dev20260603
libtpu: 0.0.44.dev20260713+nightly
codegen_flags: <defaults>
</compile_context>

<pallas_src>
import functools

import jax
import jax.numpy as jnp
from jax import lax
from jax.experimental import pallas as pl
from jax.experimental.pallas import tpu as pltpu
from jax.experimental.pallas import tpu_sc as plsc

D_MODEL = 64
SCALE = 8.0

NC = 2
NS = 16
NW = NC * NS

CHUNK = 128
NB = 4
PF = NB - 1


def _sc_gather(x2d, table, n_chunks):
    per_w = n_chunks // NW
    mesh = plsc.VectorSubcoreMesh(core_axis_name="c", subcore_axis_name="s")

    scratch = (
        [pltpu.VMEM((per_w, CHUNK), jnp.int32)]
        + [pltpu.VMEM((CHUNK, D_MODEL), jnp.float32) for _ in range(NB)]
        + [pltpu.SemaphoreType.DMA for _ in range(2 * NB)]
    )

    @functools.partial(
        pl.kernel,
        out_type=jax.ShapeDtypeStruct((n_chunks * CHUNK, D_MODEL),
                                      jnp.float32),
        mesh=mesh,
        scratch_types=scratch,
        compiler_params=pltpu.CompilerParams(
            use_tc_tiling_on_sc=False, needs_layout_passes=False),
    )
    def k(x_hbm, table_hbm, out_hbm, idx_v, *bufs_and_sems):
        inb = bufs_and_sems[:NB]
        sem_in = bufs_and_sems[NB:2 * NB]
        sem_out = bufs_and_sems[2 * NB:3 * NB]

        wid = lax.axis_index("s") * NC + lax.axis_index("c")
        base = wid * per_w
        pltpu.sync_copy(x_hbm.at[pl.ds(base, per_w)], idx_v)

        def gather(c, b):
            pltpu.async_copy(table_hbm.at[idx_v.at[c]], inb[b], sem_in[b])

        for c in range(NB):
            gather(c, c)

        @pl.loop(0, per_w, step=NB)
        def _outer(i):
            for b in range(NB):
                c = i + b

                pltpu.make_async_copy(
                    table_hbm.at[idx_v.at[c]], inb[b], sem_in[b]).wait()

                pltpu.async_copy(
                    inb[b], out_hbm.at[pl.ds((base + c) * CHUNK, CHUNK)],
                    sem_out[b])

                @pl.when(c + NB < per_w)
                def _():
                    pltpu.make_async_copy(
                        inb[b], out_hbm.at[pl.ds(0, CHUNK)],
                        sem_out[b]).wait()
                    gather(c + NB, b)

        for b in range(min(NB, per_w)):
            pltpu.make_async_copy(
                inb[b], out_hbm.at[pl.ds(0, CHUNK)], sem_out[b]).wait()

    return k(x2d, table)


def _tc_transform(lin2, seq, iblocks):
    grp = 64

    def body(in_ref, out_ref):
        bt = in_ref[...].T * SCALE
        for c in range(grp):
            out_ref[0, :, c * CHUNK:(c + 1) * CHUNK] = jnp.concatenate(
                [bt[0:D_MODEL, c * 64:(c + 1) * 64],
                 bt[D_MODEL:2 * D_MODEL, c * 64:(c + 1) * 64]], axis=1)

    return pl.pallas_call(
        body,
        out_shape=jax.ShapeDtypeStruct((seq, D_MODEL, iblocks * CHUNK),
                                       jnp.float32),
        grid=(seq, iblocks // grp),
        in_specs=[pl.BlockSpec((grp * 64, 128),
                               lambda j, g: (j * (iblocks // grp) + g, 0))],
        out_specs=pl.BlockSpec((1, D_MODEL, grp * CHUNK),
                               lambda j, g: (j, 0, g)),
        compiler_params=pltpu.CompilerParams(
            dimension_semantics=("parallel", "parallel")),
    )(lin2)


def kernel(x, table):
    bsz, seq = x.shape
    iblocks = bsz // CHUNK
    n_chunks = seq * iblocks
    xt = x.T.reshape(n_chunks, 2, 64).transpose(0, 2, 1).reshape(
        n_chunks, CHUNK).astype(jnp.int32)
    lin = _sc_gather(xt, table, n_chunks)
    lin2 = lin.reshape(n_chunks * D_MODEL, 128)
    out3 = _tc_transform(lin2, seq, iblocks)
    return out3.transpose(2, 0, 1)

# --- scband reference (transcript-rebuilt; emitter-appended) ---
"""Pipeline reference for scband-embeddings-24988119728331 (READ-ONLY COPY).

The authoritative reference and input builder live on the scoring server;
editing this copy changes nothing except your own understanding.
"""

import jax, jax.numpy as jnp
import numpy as np

D_MODEL = 64
VOCAB = 1000000

def setup_inputs(seed: int = 0) -> dict:
    key = jax.random.key(seed)
    k1, k2 = jax.random.split(key)
    x = jax.random.randint(k1, (16384, 50), 0, VOCAB, dtype=jnp.int64 if jax.config.jax_enable_x64 else jnp.int32)
    table = jax.random.normal(k2, (VOCAB, D_MODEL), dtype=jnp.float32)
    return {"x": x, "table": table}

def reference(x, table):
    # Embedding lookup followed by scale by sqrt(d_model)
    emb = jnp.take(table, x, axis=0)
    return emb * np.sqrt(D_MODEL).astype(np.float32)

if __name__ == "__main__":
    import jax
    _d = setup_inputs()
    print(jax.jit(kernel)(*tuple(_d.values())))

</pallas_src>

<mosaic_0001>
#map = affine_map<(d0, d1) -> (0, 0)>
module attributes {stable_mosaic.version = 14 : i64} {
  func.func @k(%arg0: i32, %arg1: i32, %arg2: memref<6400x128xi32, #tpu.memory_space<hbm>>, %arg3: memref<1000000x64xf32, #tpu.memory_space<hbm>>, %arg4: memref<819200x64xf32, #tpu.memory_space<hbm>>, %arg5: memref<200x128xi32, #tpu.memory_space<vmem>>, %arg6: memref<128x64xf32, #tpu.memory_space<vmem>>, %arg7: memref<128x64xf32, #tpu.memory_space<vmem>>, %arg8: memref<128x64xf32, #tpu.memory_space<vmem>>, %arg9: memref<128x64xf32, #tpu.memory_space<vmem>>, %arg10: memref<!tpu.dma_semaphore, #tpu.memory_space<semaphore_mem>>, %arg11: memref<!tpu.dma_semaphore, #tpu.memory_space<semaphore_mem>>, %arg12: memref<!tpu.dma_semaphore, #tpu.memory_space<semaphore_mem>>, %arg13: memref<!tpu.dma_semaphore, #tpu.memory_space<semaphore_mem>>, %arg14: memref<!tpu.dma_semaphore, #tpu.memory_space<semaphore_mem>>, %arg15: memref<!tpu.dma_semaphore, #tpu.memory_space<semaphore_mem>>, %arg16: memref<!tpu.dma_semaphore, #tpu.memory_space<semaphore_mem>>, %arg17: memref<!tpu.dma_semaphore, #tpu.memory_space<semaphore_mem>>) attributes {dimension_semantics = [#tpu.dimension_semantics<core_parallel>, #tpu.dimension_semantics<subcore_parallel>], iteration_bounds = array<i64: 2, 16>, scalar_prefetch = 0 : i64, scratch_operands = 13 : i64, tpu.core_type = #tpu.core_type<sc_vector_subcore>, window_params = [{transform_indices = #map}, {transform_indices = #map}, {transform_indices = #map}]} {
    %mul3A = arith.constant 2 : i32
    %mul3A_0 = arith.muli %arg1, %mul3A : i32
    %add3A = arith.addi %mul3A_0, %arg0 : i32
    %mul3A_1 = arith.constant 200 : i32
    %mul3A_2 = arith.muli %add3A, %mul3A_1 : i32
    "tpu.region"() ({
      %run_scoped3A = tpu.sem_alloc : memref<!tpu.dma_semaphore, #tpu.memory_space<semaphore_mem>>
      %dma_start3A_57 = arith.constant 0 : i32
      %dma_start3A_58 = tpu.memref_slice %arg2[%mul3A_2, %dma_start3A_57] : memref<6400x128xi32, #tpu.memory_space<hbm>> -> memref<200x128xi32, #tpu.memory_space<hbm>>
      %dma_start3A_59 = arith.constant 0 : i32
      %dma_start3A_60 = tpu.memref_slice %arg2[%mul3A_2, %dma_start3A_59] : memref<6400x128xi32, #tpu.memory_space<hbm>> -> memref<200x128xi32, #tpu.memory_space<hbm>>
      tpu.enqueue_dma source(%dma_start3A_60 : memref<200x128xi32, #tpu.memory_space<hbm>>) target(%arg5 : memref<200x128xi32, #tpu.memory_space<vmem>>) target_semaphore(%run_scoped3A : memref<!tpu.dma_semaphore, #tpu.memory_space<semaphore_mem>>)
      %dma_wait3A_61 = arith.constant 0 : i32
      %dma_wait3A_62 = tpu.memref_slice %arg2[%mul3A_2, %dma_wait3A_61] : memref<6400x128xi32, #tpu.memory_space<hbm>> -> memref<200x128xi32, #tpu.memory_space<hbm>>
      %dma_wait3A_63 = arith.constant 0 : i32
      %dma_wait3A_64 = tpu.memref_slice %arg2[%mul3A_2, %dma_wait3A_63] : memref<6400x128xi32, #tpu.memory_space<hbm>> -> memref<200x128xi32, #tpu.memory_space<hbm>>
      tpu.wait_dma2 semaphore(%run_scoped3A : memref<!tpu.dma_semaphore, #tpu.memory_space<semaphore_mem>>) src(%dma_wait3A_64 : memref<200x128xi32, #tpu.memory_space<hbm>>) dst(%arg5 : memref<200x128xi32, #tpu.memory_space<vmem>>)
      tpu.yield
    }) : () -> ()
    %dma_start3A = arith.constant 0 : i32
    %dma_start3A_3 = arith.constant 0 : i32
    %dma_start3A_4 = tpu.memref_slice %arg5[%dma_start3A, %dma_start3A_3] : memref<200x128xi32, #tpu.memory_space<vmem>> -> memref<1x128xi32, #tpu.memory_space<vmem>>
    %dma_start3A_5 = tpu.memref_squeeze %dma_start3A_4 : memref<1x128xi32, #tpu.memory_space<vmem>> -> memref<128xi32, #tpu.memory_space<vmem>>
    %dma_start3A_6 = arith.constant 0 : i32
    %dma_start3A_7 = arith.constant 0 : i32
    %dma_start3A_8 = tpu.memref_slice %arg3[%dma_start3A_6, %dma_start3A_7] : memref<1000000x64xf32, #tpu.memory_space<hbm>> -> memref<1000000x64xf32, #tpu.memory_space<hbm>>
    tpu.enqueue_indirect_dma source(%dma_start3A_8 : memref<1000000x64xf32, #tpu.memory_space<hbm>>) target(%arg6 : memref<128x64xf32, #tpu.memory_space<vmem>>) offsets(%dma_start3A_5 : memref<128xi32, #tpu.memory_space<vmem>>) semaphore(%arg10 : memref<!tpu.dma_semaphore, #tpu.memory_space<semaphore_mem>>)
    %dma_start3A_9 = arith.constant 1 : i32
    %dma_start3A_10 = arith.constant 0 : i32
    %dma_start3A_11 = tpu.memref_slice %arg5[%dma_start3A_9, %dma_start3A_10] : memref<200x128xi32, #tpu.memory_space<vmem>> -> memref<1x128xi32, #tpu.memory_space<vmem>>
    %dma_start3A_12 = tpu.memref_squeeze %dma_start3A_11 : memref<1x128xi32, #tpu.memory_space<vmem>> -> memref<128xi32, #tpu.memory_space<vmem>>
    %dma_start3A_13 = arith.constant 0 : i32
    %dma_start3A_14 = arith.constant 0 : i32
    %dma_start3A_15 = tpu.memref_slice %arg3[%dma_start3A_13, %dma_start3A_14] : memref<1000000x64xf32, #tpu.memory_space<hbm>> -> memref<1000000x64xf32, #tpu.memory_space<hbm>>
    tpu.enqueue_indirect_dma source(%dma_start3A_15 : memref<1000000x64xf32, #tpu.memory_space<hbm>>) target(%arg7 : memref<128x64xf32, #tpu.memory_space<vmem>>) offsets(%dma_start3A_12 : memref<128xi32, #tpu.memory_space<vmem>>) semaphore(%arg11 : memref<!tpu.dma_semaphore, #tpu.memory_space<semaphore_mem>>)
    %dma_start3A_16 = arith.constant 2 : i32
    %dma_start3A_17 = arith.constant 0 : i32
    %dma_start3A_18 = tpu.memref_slice %arg5[%dma_start3A_16, %dma_start3A_17] : memref<200x128xi32, #tpu.memory_space<vmem>> -> memref<1x128xi32, #tpu.memory_space<vmem>>
    %dma_start3A_19 = tpu.memref_squeeze %dma_start3A_18 : memref<1x128xi32, #tpu.memory_space<vmem>> -> memref<128xi32, #tpu.memory_space<vmem>>
    %dma_start3A_20 = arith.constant 0 : i32
    %dma_start3A_21 = arith.constant 0 : i32
    %dma_start3A_22 = tpu.memref_slice %arg3[%dma_start3A_20, %dma_start3A_21] : memref<1000000x64xf32, #tpu.memory_space<hbm>> -> memref<1000000x64xf32, #tpu.memory_space<hbm>>
    tpu.enqueue_indirect_dma source(%dma_start3A_22 : memref<1000000x64xf32, #tpu.memory_space<hbm>>) target(%arg8 : memref<128x64xf32, #tpu.memory_space<vmem>>) offsets(%dma_start3A_19 : memref<128xi32, #tpu.memory_space<vmem>>) semaphore(%arg12 : memref<!tpu.dma_semaphore, #tpu.memory_space<semaphore_mem>>)
    %dma_start3A_23 = arith.constant 3 : i32
    %dma_start3A_24 = arith.constant 0 : i32
    %dma_start3A_25 = tpu.memref_slice %arg5[%dma_start3A_23, %dma_start3A_24] : memref<200x128xi32, #tpu.memory_space<vmem>> -> memref<1x128xi32, #tpu.memory_space<vmem>>
    %dma_start3A_26 = tpu.memref_squeeze %dma_start3A_25 : memref<1x128xi32, #tpu.memory_space<vmem>> -> memref<128xi32, #tpu.memory_space<vmem>>
    %dma_start3A_27 = arith.constant 0 : i32
    %dma_start3A_28 = arith.constant 0 : i32
    %dma_start3A_29 = tpu.memref_slice %arg3[%dma_start3A_27, %dma_start3A_28] : memref<1000000x64xf32, #tpu.memory_space<hbm>> -> memref<1000000x64xf32, #tpu.memory_space<hbm>>
    tpu.enqueue_indirect_dma source(%dma_start3A_29 : memref<1000000x64xf32, #tpu.memory_space<hbm>>) target(%arg9 : memref<128x64xf32, #tpu.memory_space<vmem>>) offsets(%dma_start3A_26 : memref<128xi32, #tpu.memory_space<vmem>>) semaphore(%arg13 : memref<!tpu.dma_semaphore, #tpu.memory_space<semaphore_mem>>)
    %scan3A = arith.constant 0 : i32
    %scan3A_30 = arith.constant 50 : i32
    %scan3A_31 = arith.addi %scan3A, %scan3A_30 : i32
    %scan3A_32 = arith.constant 1 : i32
    scf.for %scan3A_57 = %scan3A to %scan3A_31 step %scan3A_32  : i32 {
      %mul3A_58 = arith.constant 4 : i32
      %mul3A_59 = arith.muli %scan3A_57, %mul3A_58 : i32
      %add3A_60 = arith.constant 0 : i32
      %add3A_61 = arith.addi %add3A_60, %mul3A_59 : i32
      %add3A_62 = arith.constant 0 : i32
      %add3A_63 = arith.addi %add3A_61, %add3A_62 : i32
      %dma_wait3A_64 = arith.constant 0 : i32
      %dma_wait3A_65 = tpu.memref_slice %arg5[%add3A_63, %dma_wait3A_64] : memref<200x128xi32, #tpu.memory_space<vmem>> -> memref<1x128xi32, #tpu.memory_space<vmem>>
      %dma_wait3A_66 = tpu.memref_squeeze %dma_wait3A_65 : memref<1x128xi32, #tpu.memory_space<vmem>> -> memref<128xi32, #tpu.memory_space<vmem>>
      %dma_wait3A_67 = arith.constant 0 : i32
      %dma_wait3A_68 = arith.constant 0 : i32
      %dma_wait3A_69 = tpu.memref_slice %arg3[%dma_wait3A_67, %dma_wait3A_68] : memref<1000000x64xf32, #tpu.memory_space<hbm>> -> memref<1000000x64xf32, #tpu.memory_space<hbm>>
      tpu.wait_indirect_dma semaphore(%arg10 : memref<!tpu.dma_semaphore, #tpu.memory_space<semaphore_mem>>) src(%dma_wait3A_69 : memref<1000000x64xf32, #tpu.memory_space<hbm>>) dst(%arg6 : memref<128x64xf32, #tpu.memory_space<vmem>>)
      %add3A_70 = arith.addi %mul3A_2, %add3A_63 : i32
      %mul3A_71 = arith.constant 128 : i32
      %mul3A_72 = arith.muli %add3A_70, %mul3A_71 : i32
      %dma_start3A_73 = arith.constant 0 : i32
      %dma_start3A_74 = tpu.memref_slice %arg4[%mul3A_72, %dma_start3A_73] : memref<819200x64xf32, #tpu.memory_space<hbm>> -> memref<128x64xf32, #tpu.memory_space<hbm>>
      %dma_start3A_75 = arith.constant 0 : i32
      %dma_start3A_76 = tpu.memref_slice %arg4[%mul3A_72, %dma_start3A_75] : memref<819200x64xf32, #tpu.memory_space<hbm>> -> memref<128x64xf32, #tpu.memory_space<hbm>>
      tpu.enqueue_dma source(%arg6 : memref<128x64xf32, #tpu.memory_space<vmem>>) target(%dma_start3A_76 : memref<128x64xf32, #tpu.memory_space<hbm>>) target_semaphore(%arg14 : memref<!tpu.dma_semaphore, #tpu.memory_space<semaphore_mem>>)
      %add3A_77 = arith.constant 4 : i32
      %add3A_78 = arith.addi %add3A_63, %add3A_77 : i32
      %lt3A = arith.constant 200 : i32
      %lt3A_79 = arith.cmpi slt, %add3A_78, %lt3A : i32
      %convert_element_type3A = arith.extui %lt3A_79 : i1 to i32
      %cond3A = arith.constant 0 : i32
      %cond3A_80 = arith.cmpi ne, %convert_element_type3A, %cond3A : i32
      scf.if %cond3A_80 {
        %dma_wait3A_147 = arith.constant 0 : i32
        %dma_wait3A_148 = arith.constant 0 : i32
        %dma_wait3A_149 = tpu.memref_slice %arg4[%dma_wait3A_147, %dma_wait3A_148] : memref<819200x64xf32, #tpu.memory_space<hbm>> -> memref<128x64xf32, #tpu.memory_space<hbm>>
        %dma_wait3A_150 = arith.constant 0 : i32
        %dma_wait3A_151 = arith.constant 0 : i32
        %dma_wait3A_152 = tpu.memref_slice %arg4[%dma_wait3A_150, %dma_wait3A_151] : memref<819200x64xf32, #tpu.memory_space<hbm>> -> memref<128x64xf32, #tpu.memory_space<hbm>>
        tpu.wait_dma2 semaphore(%arg14 : memref<!tpu.dma_semaphore, #tpu.memory_space<semaphore_mem>>) src(%arg6 : memref<128x64xf32, #tpu.memory_space<vmem>>) dst(%dma_wait3A_152 : memref<128x64xf32, #tpu.memory_space<hbm>>)
        %add3A_153 = arith.constant 4 : i32
        %add3A_154 = arith.addi %add3A_63, %add3A_153 : i32
        %dma_start3A_155 = arith.constant 0 : i32
        %dma_start3A_156 = tpu.memref_slice %arg5[%add3A_154, %dma_start3A_155] : memref<200x128xi32, #tpu.memory_space<vmem>> -> memref<1x128xi32, #tpu.memory_space<vmem>>
        %dma_start3A_157 = tpu.memref_squeeze %dma_start3A_156 : memref<1x128xi32, #tpu.memory_space<vmem>> -> memref<128xi32, #tpu.memory_space<vmem>>
        %dma_start3A_158 = arith.constant 0 : i32
        %dma_start3A_159 = arith.constant 0 : i32
        %dma_start3A_160 = tpu.memref_slice %arg3[%dma_start3A_158, %dma_start3A_159] : memref<1000000x64xf32, #tpu.memory_space<hbm>> -> memref<1000000x64xf32, #tpu.memory_space<hbm>>
        tpu.enqueue_indirect_dma source(%dma_start3A_160 : memref<1000000x64xf32, #tpu.memory_space<hbm>>) target(%arg6 : memref<128x64xf32, #tpu.memory_space<vmem>>) offsets(%dma_start3A_157 : memref<128xi32, #tpu.memory_space<vmem>>) semaphore(%arg10 : memref<!tpu.dma_semaphore, #tpu.memory_space<semaphore_mem>>)
      } else {
      }
      %add3A_81 = arith.constant 1 : i32
      %add3A_82 = arith.addi %add3A_61, %add3A_81 : i32
      %dma_wait3A_83 = arith.constant 0 : i32
      %dma_wait3A_84 = tpu.memref_slice %arg5[%add3A_82, %dma_wait3A_83] : memref<200x128xi32, #tpu.memory_space<vmem>> -> memref<1x128xi32, #tpu.memory_space<vmem>>
      %dma_wait3A_85 = tpu.memref_squeeze %dma_wait3A_84 : memref<1x128xi32, #tpu.memory_space<vmem>> -> memref<128xi32, #tpu.memory_space<vmem>>
      %dma_wait3A_86 = arith.constant 0 : i32
      %dma_wait3A_87 = arith.constant 0 : i32
      %dma_wait3A_88 = tpu.memref_slice %arg3[%dma_wait3A_86, %dma_wait3A_87] : memref<1000000x64xf32, #tpu.memory_space<hbm>> -> memref<1000000x64xf32, #tpu.memory_space<hbm>>
      tpu.wait_indirect_dma semaphore(%arg11 : memref<!tpu.dma_semaphore, #tpu.memory_space<semaphore_mem>>) src(%dma_wait3A_88 : memref<1000000x64xf32, #tpu.memory_space<hbm>>) dst(%arg7 : memref<128x64xf32, #tpu.memory_space<vmem>>)
      %add3A_89 = arith.addi %mul3A_2, %add3A_82 : i32
      %mul3A_90 = arith.constant 128 : i32
      %mul3A_91 = arith.muli %add3A_89, %mul3A_90 : i32
      %dma_start3A_92 = arith.constant 0 : i32
      %dma_start3A_93 = tpu.memref_slice %arg4[%mul3A_91, %dma_start3A_92] : memref<819200x64xf32, #tpu.memory_space<hbm>> -> memref<128x64xf32, #tpu.memory_space<hbm>>
      %dma_start3A_94 = arith.constant 0 : i32
      %dma_start3A_95 = tpu.memref_slice %arg4[%mul3A_91, %dma_start3A_94] : memref<819200x64xf32, #tpu.memory_space<hbm>> -> memref<128x64xf32, #tpu.memory_space<hbm>>
      tpu.enqueue_dma source(%arg7 : memref<128x64xf32, #tpu.memory_space<vmem>>) target(%dma_start3A_95 : memref<128x64xf32, #tpu.memory_space<hbm>>) target_semaphore(%arg15 : memref<!tpu.dma_semaphore, #tpu.memory_space<semaphore_mem>>)
      %add3A_96 = arith.constant 4 : i32
      %add3A_97 = arith.addi %add3A_82, %add3A_96 : i32
      %lt3A_98 = arith.constant 200 : i32
      %lt3A_99 = arith.cmpi slt, %add3A_97, %lt3A_98 : i32
      %convert_element_type3A_100 = arith.extui %lt3A_99 : i1 to i32
      %cond3A_101 = arith.constant 0 : i32
      %cond3A_102 = arith.cmpi ne, %convert_element_type3A_100, %cond3A_101 : i32
      scf.if %cond3A_102 {
        %dma_wait3A_147 = arith.constant 0 : i32
        %dma_wait3A_148 = arith.constant 0 : i32
        %dma_wait3A_149 = tpu.memref_slice %arg4[%dma_wait3A_147, %dma_wait3A_148] : memref<819200x64xf32, #tpu.memory_space<hbm>> -> memref<128x64xf32, #tpu.memory_space<hbm>>
        %dma_wait3A_150 = arith.constant 0 : i32
        %dma_wait3A_151 = arith.constant 0 : i32
        %dma_wait3A_152 = tpu.memref_slice %arg4[%dma_wait3A_150, %dma_wait3A_151] : memref<819200x64xf32, #tpu.memory_space<hbm>> -> memref<128x64xf32, #tpu.memory_space<hbm>>
        tpu.wait_dma2 semaphore(%arg15 : memref<!tpu.dma_semaphore, #tpu.memory_space<semaphore_mem>>) src(%arg7 : memref<128x64xf32, #tpu.memory_space<vmem>>) dst(%dma_wait3A_152 : memref<128x64xf32, #tpu.memory_space<hbm>>)
        %add3A_153 = arith.constant 4 : i32
        %add3A_154 = arith.addi %add3A_82, %add3A_153 : i32
        %dma_start3A_155 = arith.constant 0 : i32
        %dma_start3A_156 = tpu.memref_slice %arg5[%add3A_154, %dma_start3A_155] : memref<200x128xi32, #tpu.memory_space<vmem>> -> memref<1x128xi32, #tpu.memory_space<vmem>>
        %dma_start3A_157 = tpu.memref_squeeze %dma_start3A_156 : memref<1x128xi32, #tpu.memory_space<vmem>> -> memref<128xi32, #tpu.memory_space<vmem>>
        %dma_start3A_158 = arith.constant 0 : i32
        %dma_start3A_159 = arith.constant 0 : i32
        %dma_start3A_160 = tpu.memref_slice %arg3[%dma_start3A_158, %dma_start3A_159] : memref<1000000x64xf32, #tpu.memory_space<hbm>> -> memref<1000000x64xf32, #tpu.memory_space<hbm>>
        tpu.enqueue_indirect_dma source(%dma_start3A_160 : memref<1000000x64xf32, #tpu.memory_space<hbm>>) target(%arg7 : memref<128x64xf32, #tpu.memory_space<vmem>>) offsets(%dma_start3A_157 : memref<128xi32, #tpu.memory_space<vmem>>) semaphore(%arg11 : memref<!tpu.dma_semaphore, #tpu.memory_space<semaphore_mem>>)
      } else {
      }
      %add3A_103 = arith.constant 2 : i32
      %add3A_104 = arith.addi %add3A_61, %add3A_103 : i32
      %dma_wait3A_105 = arith.constant 0 : i32
      %dma_wait3A_106 = tpu.memref_slice %arg5[%add3A_104, %dma_wait3A_105] : memref<200x128xi32, #tpu.memory_space<vmem>> -> memref<1x128xi32, #tpu.memory_space<vmem>>
      %dma_wait3A_107 = tpu.memref_squeeze %dma_wait3A_106 : memref<1x128xi32, #tpu.memory_space<vmem>> -> memref<128xi32, #tpu.memory_space<vmem>>
      %dma_wait3A_108 = arith.constant 0 : i32
      %dma_wait3A_109 = arith.constant 0 : i32
      %dma_wait3A_110 = tpu.memref_slice %arg3[%dma_wait3A_108, %dma_wait3A_109] : memref<1000000x64xf32, #tpu.memory_space<hbm>> -> memref<1000000x64xf32, #tpu.memory_space<hbm>>
      tpu.wait_indirect_dma semaphore(%arg12 : memref<!tpu.dma_semaphore, #tpu.memory_space<semaphore_mem>>) src(%dma_wait3A_110 : memref<1000000x64xf32, #tpu.memory_space<hbm>>) dst(%arg8 : memref<128x64xf32, #tpu.memory_space<vmem>>)
      %add3A_111 = arith.addi %mul3A_2, %add3A_104 : i32
      %mul3A_112 = arith.constant 128 : i32
      %mul3A_113 = arith.muli %add3A_111, %mul3A_112 : i32
      %dma_start3A_114 = arith.constant 0 : i32
      %dma_start3A_115 = tpu.memref_slice %arg4[%mul3A_113, %dma_start3A_114] : memref<819200x64xf32, #tpu.memory_space<hbm>> -> memref<128x64xf32, #tpu.memory_space<hbm>>
      %dma_start3A_116 = arith.constant 0 : i32
      %dma_start3A_117 = tpu.memref_slice %arg4[%mul3A_113, %dma_start3A_116] : memref<819200x64xf32, #tpu.memory_space<hbm>> -> memref<128x64xf32, #tpu.memory_space<hbm>>
      tpu.enqueue_dma source(%arg8 : memref<128x64xf32, #tpu.memory_space<vmem>>) target(%dma_start3A_117 : memref<128x64xf32, #tpu.memory_space<hbm>>) target_semaphore(%arg16 : memref<!tpu.dma_semaphore, #tpu.memory_space<semaphore_mem>>)
      %add3A_118 = arith.constant 4 : i32
      %add3A_119 = arith.addi %add3A_104, %add3A_118 : i32
      %lt3A_120 = arith.constant 200 : i32
      %lt3A_121 = arith.cmpi slt, %add3A_119, %lt3A_120 : i32
      %convert_element_type3A_122 = arith.extui %lt3A_121 : i1 to i32
      %cond3A_123 = arith.constant 0 : i32
      %cond3A_124 = arith.cmpi ne, %convert_element_type3A_122, %cond3A_123 : i32
      scf.if %cond3A_124 {
        %dma_wait3A_147 = arith.constant 0 : i32
        %dma_wait3A_148 = arith.constant 0 : i32
        %dma_wait3A_149 = tpu.memref_slice %arg4[%dma_wait3A_147, %dma_wait3A_148] : memref<819200x64xf32, #tpu.memory_space<hbm>> -> memref<128x64xf32, #tpu.memory_space<hbm>>
        %dma_wait3A_150 = arith.constant 0 : i32
        %dma_wait3A_151 = arith.constant 0 : i32
        %dma_wait3A_152 = tpu.memref_slice %arg4[%dma_wait3A_150, %dma_wait3A_151] : memref<819200x64xf32, #tpu.memory_space<hbm>> -> memref<128x64xf32, #tpu.memory_space<hbm>>
        tpu.wait_dma2 semaphore(%arg16 : memref<!tpu.dma_semaphore, #tpu.memory_space<semaphore_mem>>) src(%arg8 : memref<128x64xf32, #tpu.memory_space<vmem>>) dst(%dma_wait3A_152 : memref<128x64xf32, #tpu.memory_space<hbm>>)
        %add3A_153 = arith.constant 4 : i32
        %add3A_154 = arith.addi %add3A_104, %add3A_153 : i32
        %dma_start3A_155 = arith.constant 0 : i32
        %dma_start3A_156 = tpu.memref_slice %arg5[%add3A_154, %dma_start3A_155] : memref<200x128xi32, #tpu.memory_space<vmem>> -> memref<1x128xi32, #tpu.memory_space<vmem>>
        %dma_start3A_157 = tpu.memref_squeeze %dma_start3A_156 : memref<1x128xi32, #tpu.memory_space<vmem>> -> memref<128xi32, #tpu.memory_space<vmem>>
        %dma_start3A_158 = arith.constant 0 : i32
        %dma_start3A_159 = arith.constant 0 : i32
        %dma_start3A_160 = tpu.memref_slice %arg3[%dma_start3A_158, %dma_start3A_159] : memref<1000000x64xf32, #tpu.memory_space<hbm>> -> memref<1000000x64xf32, #tpu.memory_space<hbm>>
        tpu.enqueue_indirect_dma source(%dma_start3A_160 : memref<1000000x64xf32, #tpu.memory_space<hbm>>) target(%arg8 : memref<128x64xf32, #tpu.memory_space<vmem>>) offsets(%dma_start3A_157 : memref<128xi32, #tpu.memory_space<vmem>>) semaphore(%arg12 : memref<!tpu.dma_semaphore, #tpu.memory_space<semaphore_mem>>)
      } else {
      }
      %add3A_125 = arith.constant 3 : i32
      %add3A_126 = arith.addi %add3A_61, %add3A_125 : i32
      %dma_wait3A_127 = arith.constant 0 : i32
      %dma_wait3A_128 = tpu.memref_slice %arg5[%add3A_126, %dma_wait3A_127] : memref<200x128xi32, #tpu.memory_space<vmem>> -> memref<1x128xi32, #tpu.memory_space<vmem>>
      %dma_wait3A_129 = tpu.memref_squeeze %dma_wait3A_128 : memref<1x128xi32, #tpu.memory_space<vmem>> -> memref<128xi32, #tpu.memory_space<vmem>>
      %dma_wait3A_130 = arith.constant 0 : i32
      %dma_wait3A_131 = arith.constant 0 : i32
      %dma_wait3A_132 = tpu.memref_slice %arg3[%dma_wait3A_130, %dma_wait3A_131] : memref<1000000x64xf32, #tpu.memory_space<hbm>> -> memref<1000000x64xf32, #tpu.memory_space<hbm>>
      tpu.wait_indirect_dma semaphore(%arg13 : memref<!tpu.dma_semaphore, #tpu.memory_space<semaphore_mem>>) src(%dma_wait3A_132 : memref<1000000x64xf32, #tpu.memory_space<hbm>>) dst(%arg9 : memref<128x64xf32, #tpu.memory_space<vmem>>)
      %add3A_133 = arith.addi %mul3A_2, %add3A_126 : i32
      %mul3A_134 = arith.constant 128 : i32
      %mul3A_135 = arith.muli %add3A_133, %mul3A_134 : i32
      %dma_start3A_136 = arith.constant 0 : i32
      %dma_start3A_137 = tpu.memref_slice %arg4[%mul3A_135, %dma_start3A_136] : memref<819200x64xf32, #tpu.memory_space<hbm>> -> memref<128x64xf32, #tpu.memory_space<hbm>>
      %dma_start3A_138 = arith.constant 0 : i32
      %dma_start3A_139 = tpu.memref_slice %arg4[%mul3A_135, %dma_start3A_138] : memref<819200x64xf32, #tpu.memory_space<hbm>> -> memref<128x64xf32, #tpu.memory_space<hbm>>
      tpu.enqueue_dma source(%arg9 : memref<128x64xf32, #tpu.memory_space<vmem>>) target(%dma_start3A_139 : memref<128x64xf32, #tpu.memory_space<hbm>>) target_semaphore(%arg17 : memref<!tpu.dma_semaphore, #tpu.memory_space<semaphore_mem>>)
      %add3A_140 = arith.constant 4 : i32
      %add3A_141 = arith.addi %add3A_126, %add3A_140 : i32
      %lt3A_142 = arith.constant 200 : i32
      %lt3A_143 = arith.cmpi slt, %add3A_141, %lt3A_142 : i32
      %convert_element_type3A_144 = arith.extui %lt3A_143 : i1 to i32
      %cond3A_145 = arith.constant 0 : i32
      %cond3A_146 = arith.cmpi ne, %convert_element_type3A_144, %cond3A_145 : i32
      scf.if %cond3A_146 {
        %dma_wait3A_147 = arith.constant 0 : i32
        %dma_wait3A_148 = arith.constant 0 : i32
        %dma_wait3A_149 = tpu.memref_slice %arg4[%dma_wait3A_147, %dma_wait3A_148] : memref<819200x64xf32, #tpu.memory_space<hbm>> -> memref<128x64xf32, #tpu.memory_space<hbm>>
        %dma_wait3A_150 = arith.constant 0 : i32
        %dma_wait3A_151 = arith.constant 0 : i32
        %dma_wait3A_152 = tpu.memref_slice %arg4[%dma_wait3A_150, %dma_wait3A_151] : memref<819200x64xf32, #tpu.memory_space<hbm>> -> memref<128x64xf32, #tpu.memory_space<hbm>>
        tpu.wait_dma2 semaphore(%arg17 : memref<!tpu.dma_semaphore, #tpu.memory_space<semaphore_mem>>) src(%arg9 : memref<128x64xf32, #tpu.memory_space<vmem>>) dst(%dma_wait3A_152 : memref<128x64xf32, #tpu.memory_space<hbm>>)
        %add3A_153 = arith.constant 4 : i32
        %add3A_154 = arith.addi %add3A_126, %add3A_153 : i32
        %dma_start3A_155 = arith.constant 0 : i32
        %dma_start3A_156 = tpu.memref_slice %arg5[%add3A_154, %dma_start3A_155] : memref<200x128xi32, #tpu.memory_space<vmem>> -> memref<1x128xi32, #tpu.memory_space<vmem>>
        %dma_start3A_157 = tpu.memref_squeeze %dma_start3A_156 : memref<1x128xi32, #tpu.memory_space<vmem>> -> memref<128xi32, #tpu.memory_space<vmem>>
        %dma_start3A_158 = arith.constant 0 : i32
        %dma_start3A_159 = arith.constant 0 : i32
        %dma_start3A_160 = tpu.memref_slice %arg3[%dma_start3A_158, %dma_start3A_159] : memref<1000000x64xf32, #tpu.memory_space<hbm>> -> memref<1000000x64xf32, #tpu.memory_space<hbm>>
        tpu.enqueue_indirect_dma source(%dma_start3A_160 : memref<1000000x64xf32, #tpu.memory_space<hbm>>) target(%arg9 : memref<128x64xf32, #tpu.memory_space<vmem>>) offsets(%dma_start3A_157 : memref<128xi32, #tpu.memory_space<vmem>>) semaphore(%arg13 : memref<!tpu.dma_semaphore, #tpu.memory_space<semaphore_mem>>)
      } else {
      }
    }
    %scan3A_33 = arith.constant 50 : i32
    %dma_wait3A = arith.constant 0 : i32
    %dma_wait3A_34 = arith.constant 0 : i32
    %dma_wait3A_35 = tpu.memref_slice %arg4[%dma_wait3A, %dma_wait3A_34] : memref<819200x64xf32, #tpu.memory_space<hbm>> -> memref<128x64xf32, #tpu.memory_space<hbm>>
    %dma_wait3A_36 = arith.constant 0 : i32
    %dma_wait3A_37 = arith.constant 0 : i32
    %dma_wait3A_38 = tpu.memref_slice %arg4[%dma_wait3A_36, %dma_wait3A_37] : memref<819200x64xf32, #tpu.memory_space<hbm>> -> memref<128x64xf32, #tpu.memory_space<hbm>>
    tpu.wait_dma2 semaphore(%arg14 : memref<!tpu.dma_semaphore, #tpu.memory_space<semaphore_mem>>) src(%arg6 : memref<128x64xf32, #tpu.memory_space<vmem>>) dst(%dma_wait3A_38 : memref<128x64xf32, #tpu.memory_space<hbm>>)
    %dma_wait3A_39 = arith.constant 0 : i32
    %dma_wait3A_40 = arith.constant 0 : i32
    %dma_wait3A_41 = tpu.memref_slice %arg4[%dma_wait3A_39, %dma_wait3A_40] : memref<819200x64xf32, #tpu.memory_space<hbm>> -> memref<128x64xf32, #tpu.memory_space<hbm>>
    %dma_wait3A_42 = arith.constant 0 : i32
    %dma_wait3A_43 = arith.constant 0 : i32
    %dma_wait3A_44 = tpu.memref_slice %arg4[%dma_wait3A_42, %dma_wait3A_43] : memref<819200x64xf32, #tpu.memory_space<hbm>> -> memref<128x64xf32, #tpu.memory_space<hbm>>
    tpu.wait_dma2 semaphore(%arg15 : memref<!tpu.dma_semaphore, #tpu.memory_space<semaphore_mem>>) src(%arg7 : memref<128x64xf32, #tpu.memory_space<vmem>>) dst(%dma_wait3A_44 : memref<128x64xf32, #tpu.memory_space<hbm>>)
    %dma_wait3A_45 = arith.constant 0 : i32
    %dma_wait3A_46 = arith.constant 0 : i32
    %dma_wait3A_47 = tpu.memref_slice %arg4[%dma_wait3A_45, %dma_wait3A_46] : memref<819200x64xf32, #tpu.memory_space<hbm>> -> memref<128x64xf32, #tpu.memory_space<hbm>>
    %dma_wait3A_48 = arith.constant 0 : i32
    %dma_wait3A_49 = arith.constant 0 : i32
    %dma_wait3A_50 = tpu.memref_slice %arg4[%dma_wait3A_48, %dma_wait3A_49] : memref<819200x64xf32, #tpu.memory_space<hbm>> -> memref<128x64xf32, #tpu.memory_space<hbm>>
    tpu.wait_dma2 semaphore(%arg16 : memref<!tpu.dma_semaphore, #tpu.memory_space<semaphore_mem>>) src(%arg8 : memref<128x64xf32, #tpu.memory_space<vmem>>) dst(%dma_wait3A_50 : memref<128x64xf32, #tpu.memory_space<hbm>>)
    %dma_wait3A_51 = arith.constant 0 : i32
    %dma_wait3A_52 = arith.constant 0 : i32
    %dma_wait3A_53 = tpu.memref_slice %arg4[%dma_wait3A_51, %dma_wait3A_52] : memref<819200x64xf32, #tpu.memory_space<hbm>> -> memref<128x64xf32, #tpu.memory_space<hbm>>
    %dma_wait3A_54 = arith.constant 0 : i32
    %dma_wait3A_55 = arith.constant 0 : i32
    %dma_wait3A_56 = tpu.memref_slice %arg4[%dma_wait3A_54, %dma_wait3A_55] : memref<819200x64xf32, #tpu.memory_space<hbm>> -> memref<128x64xf32, #tpu.memory_space<hbm>>
    tpu.wait_dma2 semaphore(%arg17 : memref<!tpu.dma_semaphore, #tpu.memory_space<semaphore_mem>>) src(%arg9 : memref<128x64xf32, #tpu.memory_space<vmem>>) dst(%dma_wait3A_56 : memref<128x64xf32, #tpu.memory_space<hbm>>)
    return
  }
}

module attributes {stable_mosaic.version = 14 : i64} {
  func.func @body(%arg0: i32, %arg1: i32, %arg2: memref<4096x128xf32, #tpu.memory_space<vmem>>, %arg3: memref<1x64x8192xf32, #tpu.memory_space<vmem>>) attributes {dimension_semantics = [#tpu.dimension_semantics<parallel>, #tpu.dimension_semantics<parallel>], iteration_bounds = array<i64: 50, 2>, scalar_prefetch = 0 : i64, scratch_operands = 0 : i64, tpu.core_type = #tpu.core_type<tc>, window_params = [{transform_indices = @transform_0, window_bounds = array<i64: 4096, 128>}, {transform_indices = @transform_1, window_bounds = array<i64: 1, 64, 8192>}]} {
    %get3A = arith.constant 0 : index
    %get3A_0 = arith.constant 0 : index
    %get3A_1 = vector.load %arg2[%get3A, %get3A_0] : memref<4096x128xf32, #tpu.memory_space<vmem>>, vector<4096x128xf32>
    %transpose3A = tpu.transpose %get3A_1, [1, 0] : vector<4096x128xf32> -> vector<128x4096xf32>
    %mul3A = arith.constant 8.000000e+00 : f32
    %mul3A_2 = vector.broadcast %mul3A : f32 to vector<128x4096xf32>
    %mul3A_3 = arith.mulf %transpose3A, %mul3A_2 : vector<128x4096xf32>
    %slice3A = vector.extract_strided_slice %mul3A_3 {offsets = [0, 0], sizes = [64, 64], strides = [1, 1]} : vector<128x4096xf32> to vector<64x64xf32>
    %slice3A_4 = vector.extract_strided_slice %mul3A_3 {offsets = [64, 0], sizes = [64, 64], strides = [1, 1]} : vector<128x4096xf32> to vector<64x64xf32>
    %concatenate3A = tpu.concatenate %slice3A, %slice3A_4 in 1 : vector<64x64xf32>, vector<64x64xf32> -> vector<64x128xf32>
    %swap3A = arith.constant 0 : index
    %swap3A_5 = arith.constant 0 : index
    %swap3A_6 = arith.constant 0 : index
    %swap3A_7 = vector.load %arg3[%swap3A, %swap3A_5, %swap3A_6] : memref<1x64x8192xf32, #tpu.memory_space<vmem>>, vector<1x64x128xf32>
    %swap3A_8 = vector.shape_cast %swap3A_7 : vector<1x64x128xf32> to vector<64x128xf32>
    %swap3A_9 = vector.shape_cast %concatenate3A : vector<64x128xf32> to vector<1x64x128xf32>
    tpu.vector_store %arg3[%swap3A, %swap3A_5, %swap3A_6], %swap3A_9 {strides = array<i32>} : memref<1x64x8192xf32, #tpu.memory_space<vmem>>, vector<1x64x128xf32>,
    %slice3A_10 = vector.extract_strided_slice %mul3A_3 {offsets = [0, 64], sizes = [64, 64], strides = [1, 1]} : vector<128x4096xf32> to vector<64x64xf32>
    %slice3A_11 = vector.extract_strided_slice %mul3A_3 {offsets = [64, 64], sizes = [64, 64], strides = [1, 1]} : vector<128x4096xf32> to vector<64x64xf32>
    %concatenate3A_12 = tpu.concatenate %slice3A_10, %slice3A_11 in 1 : vector<64x64xf32>, vector<64x64xf32> -> vector<64x128xf32>
    %swap3A_13 = arith.constant 0 : index
    %swap3A_14 = arith.constant 0 : index
    %swap3A_15 = arith.constant 128 : index
    %swap3A_16 = vector.load %arg3[%swap3A_13, %swap3A_14, %swap3A_15] : memref<1x64x8192xf32, #tpu.memory_space<vmem>>, vector<1x64x128xf32>
    %swap3A_17 = vector.shape_cast %swap3A_16 : vector<1x64x128xf32> to vector<64x128xf32>
    %swap3A_18 = vector.shape_cast %concatenate3A_12 : vector<64x128xf32> to vector<1x64x128xf32>
    tpu.vector_store %arg3[%swap3A_13, %swap3A_14, %swap3A_15], %swap3A_18 {strides = array<i32>} : memref<1x64x8192xf32, #tpu.memory_space<vmem>>, vector<1x64x128xf32>,
    %slice3A_19 = vector.extract_strided_slice %mul3A_3 {offsets = [0, 128], sizes = [64, 64], strides = [1, 1]} : vector<128x4096xf32> to vector<64x64xf32>
    %slice3A_20 = vector.extract_strided_slice %mul3A_3 {offsets = [64, 128], sizes = [64, 64], strides = [1, 1]} : vector<128x4096xf32> to vector<64x64xf32>
    %concatenate3A_21 = tpu.concatenate %slice3A_19, %slice3A_20 in 1 : vector<64x64xf32>, vector<64x64xf32> -> vector<64x128xf32>
    %swap3A_22 = arith.constant 0 : index
    %swap3A_23 = arith.constant 0 : index
    %swap3A_24 = arith.constant 256 : index
    %swap3A_25 = vector.load %arg3[%swap3A_22, %swap3A_23, %swap3A_24] : memref<1x64x8192xf32, #tpu.memory_space<vmem>>, vector<1x64x128xf32>
    %swap3A_26 = vector.shape_cast %swap3A_25 : vector<1x64x128xf32> to vector<64x128xf32>
    %swap3A_27 = vector.shape_cast %concatenate3A_21 : vector<64x128xf32> to vector<1x64x128xf32>
    tpu.vector_store %arg3[%swap3A_22, %swap3A_23, %swap3A_24], %swap3A_27 {strides = array<i32>} : memref<1x64x8192xf32, #tpu.memory_space<vmem>>, vector<1x64x128xf32>,
    %slice3A_28 = vector.extract_strided_slice %mul3A_3 {offsets = [0, 192], sizes = [64, 64], strides = [1, 1]} : vector<128x4096xf32> to vector<64x64xf32>
    %slice3A_29 = vector.extract_strided_slice %mul3A_3 {offsets = [64, 192], sizes = [64, 64], strides = [1, 1]} : vector<128x4096xf32> to vector<64x64xf32>
    %concatenate3A_30 = tpu.concatenate %slice3A_28, %slice3A_29 in 1 : vector<64x64xf32>, vector<64x64xf32> -> vector<64x128xf32>
    %swap3A_31 = arith.constant 0 : index
    %swap3A_32 = arith.constant 0 : index
    %swap3A_33 = arith.constant 384 : index
    %swap3A_34 = vector.load %arg3[%swap3A_31, %swap3A_32, %swap3A_33] : memref<1x64x8192xf32, #tpu.memory_space<vmem>>, vector<1x64x128xf32>
    %swap3A_35 = vector.shape_cast %swap3A_34 : vector<1x64x128xf32> to vector<64x128xf32>
    %swap3A_36 = vector.shape_cast %concatenate3A_30 : vector<64x128xf32> to vector<1x64x128xf32>
    tpu.vector_store %arg3[%swap3A_31, %swap3A_32, %swap3A_33], %swap3A_36 {strides = array<i32>} : memref<1x64x8192xf32, #tpu.memory_space<vmem>>, vector<1x64x128xf32>,
    %slice3A_37 = vector.extract_strided_slice %mul3A_3 {offsets = [0, 256], sizes = [64, 64], strides = [1, 1]} : vector<128x4096xf32> to vector<64x64xf32>
    %slice3A_38 = vector.extract_strided_slice %mul3A_3 {offsets = [64, 256], sizes = [64, 64], strides = [1, 1]} : vector<128x4096xf32> to vector<64x64xf32>
    %concatenate3A_39 = tpu.concatenate %slice3A_37, %slice3A_38 in 1 : vector<64x64xf32>, vector<64x64xf32> -> vector<64x128xf32>
    %swap3A_40 = arith.constant 0 : index
    %swap3A_41 = arith.constant 0 : index
    %swap3A_42 = arith.constant 512 : index
    %swap3A_43 = vector.load %arg3[%swap3A_40, %swap3A_41, %swap3A_42] : memref<1x64x8192xf32, #tpu.memory_space<vmem>>, vector<1x64x128xf32>
    %swap3A_44 = vector.shape_cast %swap3A_43 : vector<1x64x128xf32> to vector<64x128xf32>
    %swap3A_45 = vector.shape_cast %concatenate3A_39 : vector<64x128xf32> to vector<1x64x128xf32>
    tpu.vector_store %arg3[%swap3A_40, %swap3A_41, %swap3A_42], %swap3A_45 {strides = array<i32>} : memref<1x64x8192xf32, #tpu.memory_space<vmem>>, vector<1x64x128xf32>,
    %slice3A_46 = vector.extract_strided_slice %mul3A_3 {offsets = [0, 320], sizes = [64, 64], strides = [1, 1]} : vector<128x4096xf32> to vector<64x64xf32>
    %slice3A_47 = vector.extract_strided_slice %mul3A_3 {offsets = [64, 320], sizes = [64, 64], strides = [1, 1]} : vector<128x4096xf32> to vector<64x64xf32>
    %concatenate3A_48 = tpu.concatenate %slice3A_46, %slice3A_47 in 1 : vector<64x64xf32>, vector<64x64xf32> -> vector<64x128xf32>
    %swap3A_49 = arith.constant 0 : index
    %swap3A_50 = arith.constant 0 : index
    %swap3A_51 = arith.constant 640 : index
    %swap3A_52 = vector.load %arg3[%swap3A_49, %swap3A_50, %swap3A_51] : memref<1x64x8192xf32, #tpu.memory_space<vmem>>, vector<1x64x128xf32>
    %swap3A_53 = vector.shape_cast %swap3A_52 : vector<1x64x128xf32> to vector<64x128xf32>
    %swap3A_54 = vector.shape_cast %concatenate3A_48 : vector<64x128xf32> to vector<1x64x128xf32>
    tpu.vector_store %arg3[%swap3A_49, %swap3A_50, %swap3A_51], %swap3A_54 {strides = array<i32>} : memref<1x64x8192xf32, #tpu.memory_space<vmem>>, vector<1x64x128xf32>,
    %slice3A_55 = vector.extract_strided_slice %mul3A_3 {offsets = [0, 384], sizes = [64, 64], strides = [1, 1]} : vector<128x4096xf32> to vector<64x64xf32>
    %slice3A_56 = vector.extract_strided_slice %mul3A_3 {offsets = [64, 384], sizes = [64, 64], strides = [1, 1]} : vector<128x4096xf32> to vector<64x64xf32>
    %concatenate3A_57 = tpu.concatenate %slice3A_55, %slice3A_56 in 1 : vector<64x64xf32>, vector<64x64xf32> -> vector<64x128xf32>
    %swap3A_58 = arith.constant 0 : index
    %swap3A_59 = arith.constant 0 : index
    %swap3A_60 = arith.constant 768 : index
    %swap3A_61 = vector.load %arg3[%swap3A_58, %swap3A_59, %swap3A_60] : memref<1x64x8192xf32, #tpu.memory_space<vmem>>, vector<1x64x128xf32>
    %swap3A_62 = vector.shape_cast %swap3A_61 : vector<1x64x128xf32> to vector<64x128xf32>
    %swap3A_63 = vector.shape_cast %concatenate3A_57 : vector<64x128xf32> to vector<1x64x128xf32>
    tpu.vector_store %arg3[%swap3A_58, %swap3A_59, %swap3A_60], %swap3A_63 {strides = array<i32>} : memref<1x64x8192xf32, #tpu.memory_space<vmem>>, vector<1x64x128xf32>,
    %slice3A_64 = vector.extract_strided_slice %mul3A_3 {offsets = [0, 448], sizes = [64, 64], strides = [1, 1]} : vector<128x4096xf32> to vector<64x64xf32>
    %slice3A_65 = vector.extract_strided_slice %mul3A_3 {offsets = [64, 448], sizes = [64, 64], strides = [1, 1]} : vector<128x4096xf32> to vector<64x64xf32>
    %concatenate3A_66 = tpu.concatenate %slice3A_64, %slice3A_65 in 1 : vector<64x64xf32>, vector<64x64xf32> -> vector<64x128xf32>
    %swap3A_67 = arith.constant 0 : index
    %swap3A_68 = arith.constant 0 : index
    %swap3A_69 = arith.constant 896 : index
    %swap3A_70 = vector.load %arg3[%swap3A_67, %swap3A_68, %swap3A_69] : memref<1x64x8192xf32, #tpu.memory_space<vmem>>, vector<1x64x128xf32>
    %swap3A_71 = vector.shape_cast %swap3A_70 : vector<1x64x128xf32> to vector<64x128xf32>
    %swap3A_72 = vector.shape_cast %concatenate3A_66 : vector<64x128xf32> to vector<1x64x128xf32>
    tpu.vector_store %arg3[%swap3A_67, %swap3A_68, %swap3A_69], %swap3A_72 {strides = array<i32>} : memref<1x64x8192xf32, #tpu.memory_space<vmem>>, vector<1x64x128xf32>,
    %slice3A_73 = vector.extract_strided_slice %mul3A_3 {offsets = [0, 512], sizes = [64, 64], strides = [1, 1]} : vector<128x4096xf32> to vector<64x64xf32>
    %slice3A_74 = vector.extract_strided_slice %mul3A_3 {offsets = [64, 512], sizes = [64, 64], strides = [1, 1]} : vector<128x4096xf32> to vector<64x64xf32>
    %concatenate3A_75 = tpu.concatenate %slice3A_73, %slice3A_74 in 1 : vector<64x64xf32>, vector<64x64xf32> -> vector<64x128xf32>
    %swap3A_76 = arith.constant 0 : index
    %swap3A_77 = arith.constant 0 : index
    %swap3A_78 = arith.constant 1024 : index
    %swap3A_79 = vector.load %arg3[%swap3A_76, %swap3A_77, %swap3A_78] : memref<1x64x8192xf32, #tpu.memory_space<vmem>>, vector<1x64x128xf32>
    %swap3A_80 = vector.shape_cast %swap3A_79 : vector<1x64x128xf32> to vector<64x128xf32>
    %swap3A_81 = vector.shape_cast %concatenate3A_75 : vector<64x128xf32> to vector<1x64x128xf32>
    tpu.vector_store %arg3[%swap3A_76, %swap3A_77, %swap3A_78], %swap3A_81 {strides = array<i32>} : memref<1x64x8192xf32, #tpu.memory_space<vmem>>, vector<1x64x128xf32>,
    %slice3A_82 = vector.extract_strided_slice %mul3A_3 {offsets = [0, 576], sizes = [64, 64], strides = [1, 1]} : vector<128x4096xf32> to vector<64x64xf32>
    %slice3A_83 = vector.extract_strided_slice %mul3A_3 {offsets = [64, 576], sizes = [64, 64], strides = [1, 1]} : vector<128x4096xf32> to vector<64x64xf32>
    %concatenate3A_84 = tpu.concatenate %slice3A_82, %slice3A_83 in 1 : vector<64x64xf32>, vector<64x64xf32> -> vector<64x128xf32>
    %swap3A_85 = arith.constant 0 : index
    %swap3A_86 = arith.constant 0 : index
    %swap3A_87 = arith.constant 1152 : index
    %swap3A_88 = vector.load %arg3[%swap3A_85, %swap3A_86, %swap3A_87] : memref<1x64x8192xf32, #tpu.memory_space<vmem>>, vector<1x64x128xf32>
    %swap3A_89 = vector.shape_cast %swap3A_88 : vector<1x64x128xf32> to vector<64x128xf32>
    %swap3A_90 = vector.shape_cast %concatenate3A_84 : vector<64x128xf32> to vector<1x64x128xf32>
    tpu.vector_store %arg3[%swap3A_85, %swap3A_86, %swap3A_87], %swap3A_90 {strides = array<i32>} : memref<1x64x8192xf32, #tpu.memory_space<vmem>>, vector<1x64x128xf32>,
    %slice3A_91 = vector.extract_strided_slice %mul3A_3 {offsets = [0, 640], sizes = [64, 64], strides = [1, 1]} : vector<128x4096xf32> to vector<64x64xf32>
    %slice3A_92 = vector.extract_strided_slice %mul3A_3 {offsets = [64, 640], sizes = [64, 64], strides = [1, 1]} : vector<128x4096xf32> to vector<64x64xf32>
    %concatenate3A_93 = tpu.concatenate %slice3A_91, %slice3A_92 in 1 : vector<64x64xf32>, vector<64x64xf32> -> vector<64x128xf32>
    %swap3A_94 = arith.constant 0 : index
    %swap3A_95 = arith.constant 0 : index
    %swap3A_96 = arith.constant 1280 : index
    %swap3A_97 = vector.load %arg3[%swap3A_94, %swap3A_95, %swap3A_96] : memref<1x64x8192xf32, #tpu.memory_space<vmem>>, vector<1x64x128xf32>
    %swap3A_98 = vector.shape_cast %swap3A_97 : vector<1x64x128xf32> to vector<64x128xf32>
    %swap3A_99 = vector.shape_cast %concatenate3A_93 : vector<64x128xf32> to vector<1x64x128xf32>
    tpu.vector_store %arg3[%swap3A_94, %swap3A_95, %swap3A_96], %swap3A_99 {strides = array<i32>} : memref<1x64x8192xf32, #tpu.memory_space<vmem>>, vector<1x64x128xf32>,
    %slice3A_100 = vector.extract_strided_slice %mul3A_3 {offsets = [0, 704], sizes = [64, 64], strides = [1, 1]} : vector<128x4096xf32> to vector<64x64xf32>
    %slice3A_101 = vector.extract_strided_slice %mul3A_3 {offsets = [64, 704], sizes = [64, 64], strides = [1, 1]} : vector<128x4096xf32> to vector<64x64xf32>
    %concatenate3A_102 = tpu.concatenate %slice3A_100, %slice3A_101 in 1 : vector<64x64xf32>, vector<64x64xf32> -> vector<64x128xf32>
    %swap3A_103 = arith.constant 0 : index
    %swap3A_104 = arith.constant 0 : index
    %swap3A_105 = arith.constant 1408 : index
    %swap3A_106 = vector.load %arg3[%swap3A_103, %swap3A_104, %swap3A_105] : memref<1x64x8192xf32, #tpu.memory_space<vmem>>, vector<1x64x128xf32>
    %swap3A_107 = vector.shape_cast %swap3A_106 : vector<1x64x128xf32> to vector<64x128xf32>
    %swap3A_108 = vector.shape_cast %concatenate3A_102 : vector<64x128xf32> to vector<1x64x128xf32>
    tpu.vector_store %arg3[%swap3A_103, %swap3A_104, %swap3A_105], %swap3A_108 {strides = array<i32>} : memref<1x64x8192xf32, #tpu.memory_space<vmem>>, vector<1x64x128xf32>,
    %slice3A_109 = vector.extract_strided_slice %mul3A_3 {offsets = [0, 768], sizes = [64, 64], strides = [1, 1]} : vector<128x4096xf32> to vector<64x64xf32>
    %slice3A_110 = vector.extract_strided_slice %mul3A_3 {offsets = [64, 768], sizes = [64, 64], strides = [1, 1]} : vector<128x4096xf32> to vector<64x64xf32>
    %concatenate3A_111 = tpu.concatenate %slice3A_109, %slice3A_110 in 1 : vector<64x64xf32>, vector<64x64xf32> -> vector<64x128xf32>
    %swap3A_112 = arith.constant 0 : index
    %swap3A_113 = arith.constant 0 : index
    %swap3A_114 = arith.constant 1536 : index
    %swap3A_115 = vector.load %arg3[%swap3A_112, %swap3A_113, %swap3A_114] : memref<1x64x8192xf32, #tpu.memory_space<vmem>>, vector<1x64x128xf32>
    %swap3A_116 = vector.shape_cast %swap3A_115 : vector<1x64x128xf32> to vector<64x128xf32>
    %swap3A_117 = vector.shape_cast %concatenate3A_111 : vector<64x128xf32> to vector<1x64x128xf32>
    tpu.vector_store %arg3[%swap3A_112, %swap3A_113, %swap3A_114], %swap3A_117 {strides = array<i32>} : memref<1x64x8192xf32, #tpu.memory_space<vmem>>, vector<1x64x128xf32>,
    %slice3A_118 = vector.extract_strided_slice %mul3A_3 {offsets = [0, 832], sizes = [64, 64], strides = [1, 1]} : vector<128x4096xf32> to vector<64x64xf32>
    %slice3A_119 = vector.extract_strided_slice %mul3A_3 {offsets = [64, 832], sizes = [64, 64], strides = [1, 1]} : vector<128x4096xf32> to vector<64x64xf32>
    %concatenate3A_120 = tpu.concatenate %slice3A_118, %slice3A_119 in 1 : vector<64x64xf32>, vector<64x64xf32> -> vector<64x128xf32>
    %swap3A_121 = arith.constant 0 : index
    %swap3A_122 = arith.constant 0 : index
    %swap3A_123 = arith.constant 1664 : index
    %swap3A_124 = vector.load %arg3[%swap3A_121, %swap3A_122, %swap3A_123] : memref<1x64x8192xf32, #tpu.memory_space<vmem>>, vector<1x64x128xf32>
    %swap3A_125 = vector.shape_cast %swap3A_124 : vector<1x64x128xf32> to vector<64x128xf32>
    %swap3A_126 = vector.shape_cast %concatenate3A_120 : vector<64x128xf32> to vector<1x64x128xf32>
    tpu.vector_store %arg3[%swap3A_121, %swap3A_122, %swap3A_123], %swap3A_126 {strides = array<i32>} : memref<1x64x8192xf32, #tpu.memory_space<vmem>>, vector<1x64x128xf32>,
    %slice3A_127 = vector.extract_strided_slice %mul3A_3 {offsets = [0, 896], sizes = [64, 64], strides = [1, 1]} : vector<128x4096xf32> to vector<64x64xf32>
    %slice3A_128 = vector.extract_strided_slice %mul3A_3 {offsets = [64, 896], sizes = [64, 64], strides = [1, 1]} : vector<128x4096xf32> to vector<64x64xf32>
    %concatenate3A_129 = tpu.concatenate %slice3A_127, %slice3A_128 in 1 : vector<64x64xf32>, vector<64x64xf32> -> vector<64x128xf32>
    %swap3A_130 = arith.constant 0 : index
    %swap3A_131 = arith.constant 0 : index
    %swap3A_132 = arith.constant 1792 : index
    %swap3A_133 = vector.load %arg3[%swap3A_130, %swap3A_131, %swap3A_132] : memref<1x64x8192xf32, #tpu.memory_space<vmem>>, vector<1x64x128xf32>
    %swap3A_134 = vector.shape_cast %swap3A_133 : vector<1x64x128xf32> to vector<64x128xf32>
    %swap3A_135 = vector.shape_cast %concatenate3A_129 : vector<64x128xf32> to vector<1x64x128xf32>
    tpu.vector_store %arg3[%swap3A_130, %swap3A_131, %swap3A_132], %swap3A_135 {strides = array<i32>} : memref<1x64x8192xf32, #tpu.memory_space<vmem>>, vector<1x64x128xf32>,
    %slice3A_136 = vector.extract_strided_slice %mul3A_3 {offsets = [0, 960], sizes = [64, 64], strides = [1, 1]} : vector<128x4096xf32> to vector<64x64xf32>
    %slice3A_137 = vector.extract_strided_slice %mul3A_3 {offsets = [64, 960], sizes = [64, 64], strides = [1, 1]} : vector<128x4096xf32> to vector<64x64xf32>
    %concatenate3A_138 = tpu.concatenate %slice3A_136, %slice3A_137 in 1 : vector<64x64xf32>, vector<64x64xf32> -> vector<64x128xf32>
    %swap3A_139 = arith.constant 0 : index
    %swap3A_140 = arith.constant 0 : index
    %swap3A_141 = arith.constant 1920 : index
    %swap3A_142 = vector.load %arg3[%swap3A_139, %swap3A_140, %swap3A_141] : memref<1x64x8192xf32, #tpu.memory_space<vmem>>, vector<1x64x128xf32>
    %swap3A_143 = vector.shape_cast %swap3A_142 : vector<1x64x128xf32> to vector<64x128xf32>
    %swap3A_144 = vector.shape_cast %concatenate3A_138 : vector<64x128xf32> to vector<1x64x128xf32>
    tpu.vector_store %arg3[%swap3A_139, %swap3A_140, %swap3A_141], %swap3A_144 {strides = array<i32>} : memref<1x64x8192xf32, #tpu.memory_space<vmem>>, vector<1x64x128xf32>,
    %slice3A_145 = vector.extract_strided_slice %mul3A_3 {offsets = [0, 1024], sizes = [64, 64], strides = [1, 1]} : vector<128x4096xf32> to vector<64x64xf32>
    %slice3A_146 = vector.extract_strided_slice %mul3A_3 {offsets = [64, 1024], sizes = [64, 64], strides = [1, 1]} : vector<128x4096xf32> to vector<64x64xf32>
    %concatenate3A_147 = tpu.concatenate %slice3A_145, %slice3A_146 in 1 : vector<64x64xf32>, vector<64x64xf32> -> vector<64x128xf32>
    %swap3A_148 = arith.constant 0 : index
    %swap3A_149 = arith.constant 0 : index
    %swap3A_150 = arith.constant 2048 : index
    %swap3A_151 = vector.load %arg3[%swap3A_148, %swap3A_149, %swap3A_150] : memref<1x64x8192xf32, #tpu.memory_space<vmem>>, vector<1x64x128xf32>
    %swap3A_152 = vector.shape_cast %swap3A_151 : vector<1x64x128xf32> to vector<64x128xf32>
    %swap3A_153 = vector.shape_cast %concatenate3A_147 : vector<64x128xf32> to vector<1x64x128xf32>
    tpu.vector_store %arg3[%swap3A_148, %swap3A_149, %swap3A_150], %swap3A_153 {strides = array<i32>} : memref<1x64x8192xf32, #tpu.memory_space<vmem>>, vector<1x64x128xf32>,
    %slice3A_154 = vector.extract_strided_slice %mul3A_3 {offsets = [0, 1088], sizes = [64, 64], strides = [1, 1]} : vector<128x4096xf32> to vector<64x64xf32>
    %slice3A_155 = vector.extract_strided_slice %mul3A_3 {offsets = [64, 1088], sizes = [64, 64], strides = [1, 1]} : vector<128x4096xf32> to vector<64x64xf32>
    %concatenate3A_156 = tpu.concatenate %slice3A_154, %slice3A_155 in 1 : vector<64x64xf32>, vector<64x64xf32> -> vector<64x128xf32>
    %swap3A_157 = arith.constant 0 : index
    %swap3A_158 = arith.constant 0 : index
    %swap3A_159 = arith.constant 2176 : index
    %swap3A_160 = vector.load %arg3[%swap3A_157, %swap3A_158, %swap3A_159] : memref<1x64x8192xf32, #tpu.memory_space<vmem>>, vector<1x64x128xf32>
    %swap3A_161 = vector.shape_cast %swap3A_160 : vector<1x64x128xf32> to vector<64x128xf32>
    %swap3A_162 = vector.shape_cast %concatenate3A_156 : vector<64x128xf32> to vector<1x64x128xf32>
    tpu.vector_store %arg3[%swap3A_157, %swap3A_158, %swap3A_159], %swap3A_162 {strides = array<i32>} : memref<1x64x8192xf32, #tpu.memory_space<vmem>>, vector<1x64x128xf32>,
    %slice3A_163 = vector.extract_strided_slice %mul3A_3 {offsets = [0, 1152], sizes = [64, 64], strides = [1, 1]} : vector<128x4096xf32> to vector<64x64xf32>
    %slice3A_164 = vector.extract_strided_slice %mul3A_3 {offsets = [64, 1152], sizes = [64, 64], strides = [1, 1]} : vector<128x4096xf32> to vector<64x64xf32>
    %concatenate3A_165 = tpu.concatenate %slice3A_163, %slice3A_164 in 1 : vector<64x64xf32>, vector<64x64xf32> -> vector<64x128xf32>
    %swap3A_166 = arith.constant 0 : index
    %swap3A_167 = arith.constant 0 : index
    %swap3A_168 = arith.constant 2304 : index
    %swap3A_169 = vector.load %arg3[%swap3A_166, %swap3A_167, %swap3A_168] : memref<1x64x8192xf32, #tpu.memory_space<vmem>>, vector<1x64x128xf32>
    %swap3A_170 = vector.shape_cast %swap3A_169 : vector<1x64x128xf32> to vector<64x128xf32>
    %swap3A_171 = vector.shape_cast %concatenate3A_165 : vector<64x128xf32> to vector<1x64x128xf32>
    tpu.vector_store %arg3[%swap3A_166, %swap3A_167, %swap3A_168], %swap3A_171 {strides = array<i32>} : memref<1x64x8192xf32, #tpu.memory_space<vmem>>, vector<1x64x128xf32>,
    %slice3A_172 = vector.extract_strided_slice %mul3A_3 {offsets = [0, 1216], sizes = [64, 64], strides = [1, 1]} : vector<128x4096xf32> to vector<64x64xf32>
    %slice3A_173 = vector.extract_strided_slice %mul3A_3 {offsets = [64, 1216], sizes = [64, 64], strides = [1, 1]} : vector<128x4096xf32> to vector<64x64xf32>
    %concatenate3A_174 = tpu.concatenate %slice3A_172, %slice3A_173 in 1 : vector<64x64xf32>, vector<64x64xf32> -> vector<64x128xf32>
    %swap3A_175 = arith.constant 0 : index
    %swap3A_176 = arith.constant 0 : index
    %swap3A_177 = arith.constant 2432 : index
    %swap3A_178 = vector.load %arg3[%swap3A_175, %swap3A_176, %swap3A_177] : memref<1x64x8192xf32, #tpu.memory_space<vmem>>, vector<1x64x128xf32>
    %swap3A_179 = vector.shape_cast %swap3A_178 : vector<1x64x128xf32> to vector<64x128xf32>
    %swap3A_180 = vector.shape_cast %concatenate3A_174 : vector<64x128xf32> to vector<1x64x128xf32>
    tpu.vector_store %arg3[%swap3A_175, %swap3A_176, %swap3A_177], %swap3A_180 {strides = array<i32>} : memref<1x64x8192xf32, #tpu.memory_space<vmem>>, vector<1x64x128xf32>,
    %slice3A_181 = vector.extract_strided_slice %mul3A_3 {offsets = [0, 1280], sizes = [64, 64], strides = [1, 1]} : vector<128x4096xf32> to vector<64x64xf32>
    %slice3A_182 = vector.extract_strided_slice %mul3A_3 {offsets = [64, 1280], sizes = [64, 64], strides = [1, 1]} : vector<128x4096xf32> to vector<64x64xf32>
    %concatenate3A_183 = tpu.concatenate %slice3A_181, %slice3A_182 in 1 : vector<64x64xf32>, vector<64x64xf32> -> vector<64x128xf32>
    %swap3A_184 = arith.constant 0 : index
    %swap3A_185 = arith.constant 0 : index
    %swap3A_186 = arith.constant 2560 : index
    %swap3A_187 = vector.load %arg3[%swap3A_184, %swap3A_185, %swap3A_186] : memref<1x64x8192xf32, #tpu.memory_space<vmem>>, vector<1x64x128xf32>
    %swap3A_188 = vector.shape_cast %swap3A_187 : vector<1x64x128xf32> to vector<64x128xf32>
    %swap3A_189 = vector.shape_cast %concatenate3A_183 : vector<64x128xf32> to vector<1x64x128xf32>
    tpu.vector_store %arg3[%swap3A_184, %swap3A_185, %swap3A_186], %swap3A_189 {strides = array<i32>} : memref<1x64x8192xf32, #tpu.memory_space<vmem>>, vector<1x64x128xf32>,
    %slice3A_190 = vector.extract_strided_slice %mul3A_3 {offsets = [0, 1344], sizes = [64, 64], strides = [1, 1]} : vector<128x4096xf32> to vector<64x64xf32>
    %slice3A_191 = vector.extract_strided_slice %mul3A_3 {offsets = [64, 1344], sizes = [64, 64], strides = [1, 1]} : vector<128x4096xf32> to vector<64x64xf32>
    %concatenate3A_192 = tpu.concatenate %slice3A_190, %slice3A_191 in 1 : vector<64x64xf32>, vector<64x64xf32> -> vector<64x128xf32>
    %swap3A_193 = arith.constant 0 : index
    %swap3A_194 = arith.constant 0 : index
    %swap3A_195 = arith.constant 2688 : index
    %swap3A_196 = vector.load %arg3[%swap3A_193, %swap3A_194, %swap3A_195] : memref<1x64x8192xf32, #tpu.memory_space<vmem>>, vector<1x64x128xf32>
    %swap3A_197 = vector.shape_cast %swap3A_196 : vector<1x64x128xf32> to vector<64x128xf32>
    %swap3A_198 = vector.shape_cast %concatenate3A_192 : vector<64x128xf32> to vector<1x64x128xf32>
    tpu.vector_store %arg3[%swap3A_193, %swap3A_194, %swap3A_195], %swap3A_198 {strides = array<i32>} : memref<1x64x8192xf32, #tpu.memory_space<vmem>>, vector<1x64x128xf32>,
    %slice3A_199 = vector.extract_strided_slice %mul3A_3 {offsets = [0, 1408], sizes = [64, 64], strides = [1, 1]} : vector<128x4096xf32> to vector<64x64xf32>
    %slice3A_200 = vector.extract_strided_slice %mul3A_3 {offsets = [64, 1408], sizes = [64, 64], strides = [1, 1]} : vector<128x4096xf32> to vector<64x64xf32>
    %concatenate3A_201 = tpu.concatenate %slice3A_199, %slice3A_200 in 1 : vector<64x64xf32>, vector<64x64xf32> -> vector<64x128xf32>
    %swap3A_202 = arith.constant 0 : index
    %swap3A_203 = arith.constant 0 : index
    %swap3A_204 = arith.constant 2816 : index
    %swap3A_205 = vector.load %arg3[%swap3A_202, %swap3A_203, %swap3A_204] : memref<1x64x8192xf32, #tpu.memory_space<vmem>>, vector<1x64x128xf32>
    %swap3A_206 = vector.shape_cast %swap3A_205 : vector<1x64x128xf32> to vector<64x128xf32>
    %swap3A_207 = vector.shape_cast %concatenate3A_201 : vector<64x128xf32> to vector<1x64x128xf32>
    tpu.vector_store %arg3[%swap3A_202, %swap3A_203, %swap3A_204], %swap3A_207 {strides = array<i32>} : memref<1x64x8192xf32, #tpu.memory_space<vmem>>, vector<1x64x128xf32>,
    %slice3A_208 = vector.extract_strided_slice %mul3A_3 {offsets = [0, 1472], sizes = [64, 64], strides = [1, 1]} : vector<128x4096xf32> to vector<64x64xf32>
    %slice3A_209 = vector.extract_strided_slice %mul3A_3 {offsets = [64, 1472], sizes = [64, 64], strides = [1, 1]} : vector<128x4096xf32> to vector<64x64xf32>
    %concatenate3A_210 = tpu.concatenate %slice3A_208, %slice3A_209 in 1 : vector<64x64xf32>, vector<64x64xf32> -> vector<64x128xf32>
    %swap3A_211 = arith.constant 0 : index
    %swap3A_212 = arith.constant 0 : index
    %swap3A_213 = arith.constant 2944 : index
    %swap3A_214 = vector.load %arg3[%swap3A_211, %swap3A_212, %swap3A_213] : memref<1x64x8192xf32, #tpu.memory_space<vmem>>, vector<1x64x128xf32>
    %swap3A_215 = vector.shape_cast %swap3A_214 : vector<1x64x128xf32> to vector<64x128xf32>
    %swap3A_216 = vector.shape_cast %concatenate3A_210 : vector<64x128xf32> to vector<1x64x128xf32>
    tpu.vector_store %arg3[%swap3A_211, %swap3A_212, %swap3A_213], %swap3A_216 {strides = array<i32>} : memref<1x64x8192xf32, #tpu.memory_space<vmem>>, vector<1x64x128xf32>,
    %slice3A_217 = vector.extract_strided_slice %mul3A_3 {offsets = [0, 1536], sizes = [64, 64], strides = [1, 1]} : vector<128x4096xf32> to vector<64x64xf32>
    %slice3A_218 = vector.extract_strided_slice %mul3A_3 {offsets = [64, 1536], sizes = [64, 64], strides = [1, 1]} : vector<128x4096xf32> to vector<64x64xf32>
    %concatenate3A_219 = tpu.concatenate %slice3A_217, %slice3A_218 in 1 : vector<64x64xf32>, vector<64x64xf32> -> vector<64x128xf32>
    %swap3A_220 = arith.constant 0 : index
    %swap3A_221 = arith.constant 0 : index
    %swap3A_222 = arith.constant 3072 : index
    %swap3A_223 = vector.load %arg3[%swap3A_220, %swap3A_221, %swap3A_222] : memref<1x64x8192xf32, #tpu.memory_space<vmem>>, vector<1x64x128xf32>
    %swap3A_224 = vector.shape_cast %swap3A_223 : vector<1x64x128xf32> to vector<64x128xf32>
    %swap3A_225 = vector.shape_cast %concatenate3A_219 : vector<64x128xf32> to vector<1x64x128xf32>
    tpu.vector_store %arg3[%swap3A_220, %swap3A_221, %swap3A_222], %swap3A_225 {strides = array<i32>} : memref<1x64x8192xf32, #tpu.memory_space<vmem>>, vector<1x64x128xf32>,
    %slice3A_226 = vector.extract_strided_slice %mul3A_3 {offsets = [0, 1600], sizes = [64, 64], strides = [1, 1]} : vector<128x4096xf32> to vector<64x64xf32>
    %slice3A_227 = vector.extract_strided_slice %mul3A_3 {offsets = [64, 1600], sizes = [64, 64], strides = [1, 1]} : vector<128x4096xf32> to vector<64x64xf32>
    %concatenate3A_228 = tpu.concatenate %slice3A_226, %slice3A_227 in 1 : vector<64x64xf32>, vector<64x64xf32> -> vector<64x128xf32>
    %swap3A_229 = arith.constant 0 : index
    %swap3A_230 = arith.constant 0 : index
    %swap3A_231 = arith.constant 3200 : index
    %swap3A_232 = vector.load %arg3[%swap3A_229, %swap3A_230, %swap3A_231] : memref<1x64x8192xf32, #tpu.memory_space<vmem>>, vector<1x64x128xf32>
    %swap3A_233 = vector.shape_cast %swap3A_232 : vector<1x64x128xf32> to vector<64x128xf32>
    %swap3A_234 = vector.shape_cast %concatenate3A_228 : vector<64x128xf32> to vector<1x64x128xf32>
    tpu.vector_store %arg3[%swap3A_229, %swap3A_230, %swap3A_231], %swap3A_234 {strides = array<i32>} : memref<1x64x8192xf32, #tpu.memory_space<vmem>>, vector<1x64x128xf32>,
    %slice3A_235 = vector.extract_strided_slice %mul3A_3 {offsets = [0, 1664], sizes = [64, 64], strides = [1, 1]} : vector<128x4096xf32> to vector<64x64xf32>
    %slice3A_236 = vector.extract_strided_slice %mul3A_3 {offsets = [64, 1664], sizes = [64, 64], strides = [1, 1]} : vector<128x4096xf32> to vector<64x64xf32>
    %concatenate3A_237 = tpu.concatenate %slice3A_235, %slice3A_236 in 1 : vector<64x64xf32>, vector<64x64xf32> -> vector<64x128xf32>
    %swap3A_238 = arith.constant 0 : index
    %swap3A_239 = arith.constant 0 : index
    %swap3A_240 = arith.constant 3328 : index
    %swap3A_241 = vector.load %arg3[%swap3A_238, %swap3A_239, %swap3A_240] : memref<1x64x8192xf32, #tpu.memory_space<vmem>>, vector<1x64x128xf32>
    %swap3A_242 = vector.shape_cast %swap3A_241 : vector<1x64x128xf32> to vector<64x128xf32>
    %swap3A_243 = vector.shape_cast %concatenate3A_237 : vector<64x128xf32> to vector<1x64x128xf32>
    tpu.vector_store %arg3[%swap3A_238, %swap3A_239, %swap3A_240], %swap3A_243 {strides = array<i32>} : memref<1x64x8192xf32, #tpu.memory_space<vmem>>, vector<1x64x128xf32>,
    %slice3A_244 = vector.extract_strided_slice %mul3A_3 {offsets = [0, 1728], sizes = [64, 64], strides = [1, 1]} : vector<128x4096xf32> to vector<64x64xf32>
    %slice3A_245 = vector.extract_strided_slice %mul3A_3 {offsets = [64, 1728], sizes = [64, 64], strides = [1, 1]} : vector<128x4096xf32> to vector<64x64xf32>
    %concatenate3A_246 = tpu.concatenate %slice3A_244, %slice3A_245 in 1 : vector<64x64xf32>, vector<64x64xf32> -> vector<64x128xf32>
    %swap3A_247 = arith.constant 0 : index
    %swap3A_248 = arith.constant 0 : index
    %swap3A_249 = arith.constant 3456 : index
    %swap3A_250 = vector.load %arg3[%swap3A_247, %swap3A_248, %swap3A_249] : memref<1x64x8192xf32, #tpu.memory_space<vmem>>, vector<1x64x128xf32>
    %swap3A_251 = vector.shape_cast %swap3A_250 : vector<1x64x128xf32> to vector<64x128xf32>
    %swap3A_252 = vector.shape_cast %concatenate3A_246 : vector<64x128xf32> to vector<1x64x128xf32>
    tpu.vector_store %arg3[%swap3A_247, %swap3A_248, %swap3A_249], %swap3A_252 {strides = array<i32>} : memref<1x64x8192xf32, #tpu.memory_space<vmem>>, vector<1x64x128xf32>,
    %slice3A_253 = vector.extract_strided_slice %mul3A_3 {offsets = [0, 1792], sizes = [64, 64], strides = [1, 1]} : vector<128x4096xf32> to vector<64x64xf32>
    %slice3A_254 = vector.extract_strided_slice %mul3A_3 {offsets = [64, 1792], sizes = [64, 64], strides = [1, 1]} : vector<128x4096xf32> to vector<64x64xf32>
    %concatenate3A_255 = tpu.concatenate %slice3A_253, %slice3A_254 in 1 : vector<64x64xf32>, vector<64x64xf32> -> vector<64x128xf32>
    %swap3A_256 = arith.constant 0 : index
    %swap3A_257 = arith.constant 0 : index
    %swap3A_258 = arith.constant 3584 : index
    %swap3A_259 = vector.load %arg3[%swap3A_256, %swap3A_257, %swap3A_258] : memref<1x64x8192xf32, #tpu.memory_space<vmem>>, vector<1x64x128xf32>
    %swap3A_260 = vector.shape_cast %swap3A_259 : vector<1x64x128xf32> to vector<64x128xf32>
    %swap3A_261 = vector.shape_cast %concatenate3A_255 : vector<64x128xf32> to vector<1x64x128xf32>
    tpu.vector_store %arg3[%swap3A_256, %swap3A_257, %swap3A_258], %swap3A_261 {strides = array<i32>} : memref<1x64x8192xf32, #tpu.memory_space<vmem>>, vector<1x64x128xf32>,
    %slice3A_262 = vector.extract_strided_slice %mul3A_3 {offsets = [0, 1856], sizes = [64, 64], strides = [1, 1]} : vector<128x4096xf32> to vector<64x64xf32>
    %slice3A_263 = vector.extract_strided_slice %mul3A_3 {offsets = [64, 1856], sizes = [64, 64], strides = [1, 1]} : vector<128x4096xf32> to vector<64x64xf32>
    %concatenate3A_264 = tpu.concatenate %slice3A_262, %slice3A_263 in 1 : vector<64x64xf32>, vector<64x64xf32> -> vector<64x128xf32>
    %swap3A_265 = arith.constant 0 : index
    %swap3A_266 = arith.constant 0 : index
    %swap3A_267 = arith.constant 3712 : index
    %swap3A_268 = vector.load %arg3[%swap3A_265, %swap3A_266, %swap3A_267] : memref<1x64x8192xf32, #tpu.memory_space<vmem>>, vector<1x64x128xf32>
    %swap3A_269 = vector.shape_cast %swap3A_268 : vector<1x64x128xf32> to vector<64x128xf32>
    %swap3A_270 = vector.shape_cast %concatenate3A_264 : vector<64x128xf32> to vector<1x64x128xf32>
    tpu.vector_store %arg3[%swap3A_265, %swap3A_266, %swap3A_267], %swap3A_270 {strides = array<i32>} : memref<1x64x8192xf32, #tpu.memory_space<vmem>>, vector<1x64x128xf32>,
    %slice3A_271 = vector.extract_strided_slice %mul3A_3 {offsets = [0, 1920], sizes = [64, 64], strides = [1, 1]} : vector<128x4096xf32> to vector<64x64xf32>
    %slice3A_272 = vector.extract_strided_slice %mul3A_3 {offsets = [64, 1920], sizes = [64, 64], strides = [1, 1]} : vector<128x4096xf32> to vector<64x64xf32>
    %concatenate3A_273 = tpu.concatenate %slice3A_271, %slice3A_272 in 1 : vector<64x64xf32>, vector<64x64xf32> -> vector<64x128xf32>
    %swap3A_274 = arith.constant 0 : index
    %swap3A_275 = arith.constant 0 : index
    %swap3A_276 = arith.constant 3840 : index
    %swap3A_277 = vector.load %arg3[%swap3A_274, %swap3A_275, %swap3A_276] : memref<1x64x8192xf32, #tpu.memory_space<vmem>>, vector<1x64x128xf32>
    %swap3A_278 = vector.shape_cast %swap3A_277 : vector<1x64x128xf32> to vector<64x128xf32>
    %swap3A_279 = vector.shape_cast %concatenate3A_273 : vector<64x128xf32> to vector<1x64x128xf32>
    tpu.vector_store %arg3[%swap3A_274, %swap3A_275, %swap3A_276], %swap3A_279 {strides = array<i32>} : memref<1x64x8192xf32, #tpu.memory_space<vmem>>, vector<1x64x128xf32>,
    %slice3A_280 = vector.extract_strided_slice %mul3A_3 {offsets = [0, 1984], sizes = [64, 64], strides = [1, 1]} : vector<128x4096xf32> to vector<64x64xf32>
    %slice3A_281 = vector.extract_strided_slice %mul3A_3 {offsets = [64, 1984], sizes = [64, 64], strides = [1, 1]} : vector<128x4096xf32> to vector<64x64xf32>
    %concatenate3A_282 = tpu.concatenate %slice3A_280, %slice3A_281 in 1 : vector<64x64xf32>, vector<64x64xf32> -> vector<64x128xf32>
    %swap3A_283 = arith.constant 0 : index
    %swap3A_284 = arith.constant 0 : index
    %swap3A_285 = arith.constant 3968 : index
    %swap3A_286 = vector.load %arg3[%swap3A_283, %swap3A_284, %swap3A_285] : memref<1x64x8192xf32, #tpu.memory_space<vmem>>, vector<1x64x128xf32>
    %swap3A_287 = vector.shape_cast %swap3A_286 : vector<1x64x128xf32> to vector<64x128xf32>
    %swap3A_288 = vector.shape_cast %concatenate3A_282 : vector<64x128xf32> to vector<1x64x128xf32>
    tpu.vector_store %arg3[%swap3A_283, %swap3A_284, %swap3A_285], %swap3A_288 {strides = array<i32>} : memref<1x64x8192xf32, #tpu.memory_space<vmem>>, vector<1x64x128xf32>,
    %slice3A_289 = vector.extract_strided_slice %mul3A_3 {offsets = [0, 2048], sizes = [64, 64], strides = [1, 1]} : vector<128x4096xf32> to vector<64x64xf32>
    %slice3A_290 = vector.extract_strided_slice %mul3A_3 {offsets = [64, 2048], sizes = [64, 64], strides = [1, 1]} : vector<128x4096xf32> to vector<64x64xf32>
    %concatenate3A_291 = tpu.concatenate %slice3A_289, %slice3A_290 in 1 : vector<64x64xf32>, vector<64x64xf32> -> vector<64x128xf32>
    %swap3A_292 = arith.constant 0 : index
    %swap3A_293 = arith.constant 0 : index
    %swap3A_294 = arith.constant 4096 : index
    %swap3A_295 = vector.load %arg3[%swap3A_292, %swap3A_293, %swap3A_294] : memref<1x64x8192xf32, #tpu.memory_space<vmem>>, vector<1x64x128xf32>
    %swap3A_296 = vector.shape_cast %swap3A_295 : vector<1x64x128xf32> to vector<64x128xf32>
    %swap3A_297 = vector.shape_cast %concatenate3A_291 : vector<64x128xf32> to vector<1x64x128xf32>
    tpu.vector_store %arg3[%swap3A_292, %swap3A_293, %swap3A_294], %swap3A_297 {strides = array<i32>} : memref<1x64x8192xf32, #tpu.memory_space<vmem>>, vector<1x64x128xf32>,
    %slice3A_298 = vector.extract_strided_slice %mul3A_3 {offsets = [0, 2112], sizes = [64, 64], strides = [1, 1]} : vector<128x4096xf32> to vector<64x64xf32>
    %slice3A_299 = vector.extract_strided_slice %mul3A_3 {offsets = [64, 2112], sizes = [64, 64], strides = [1, 1]} : vector<128x4096xf32> to vector<64x64xf32>
    %concatenate3A_300 = tpu.concatenate %slice3A_298, %slice3A_299 in 1 : vector<64x64xf32>, vector<64x64xf32> -> vector<64x128xf32>
    %swap3A_301 = arith.constant 0 : index
    %swap3A_302 = arith.constant 0 : index
    %swap3A_303 = arith.constant 4224 : index
    %swap3A_304 = vector.load %arg3[%swap3A_301, %swap3A_302, %swap3A_303] : memref<1x64x8192xf32, #tpu.memory_space<vmem>>, vector<1x64x128xf32>
    %swap3A_305 = vector.shape_cast %swap3A_304 : vector<1x64x128xf32> to vector<64x128xf32>
    %swap3A_306 = vector.shape_cast %concatenate3A_300 : vector<64x128xf32> to vector<1x64x128xf32>
    tpu.vector_store %arg3[%swap3A_301, %swap3A_302, %swap3A_303], %swap3A_306 {strides = array<i32>} : memref<1x64x8192xf32, #tpu.memory_space<vmem>>, vector<1x64x128xf32>,
    %slice3A_307 = vector.extract_strided_slice %mul3A_3 {offsets = [0, 2176], sizes = [64, 64], strides = [1, 1]} : vector<128x4096xf32> to vector<64x64xf32>
    %slice3A_308 = vector.extract_strided_slice %mul3A_3 {offsets = [64, 2176], sizes = [64, 64], strides = [1, 1]} : vector<128x4096xf32> to vector<64x64xf32>
    %concatenate3A_309 = tpu.concatenate %slice3A_307, %slice3A_308 in 1 : vector<64x64xf32>, vector<64x64xf32> -> vector<64x128xf32>
    %swap3A_310 = arith.constant 0 : index
    %swap3A_311 = arith.constant 0 : index
    %swap3A_312 = arith.constant 4352 : index
    %swap3A_313 = vector.load %arg3[%swap3A_310, %swap3A_311, %swap3A_312] : memref<1x64x8192xf32, #tpu.memory_space<vmem>>, vector<1x64x128xf32>
    %swap3A_314 = vector.shape_cast %swap3A_313 : vector<1x64x128xf32> to vector<64x128xf32>
    %swap3A_315 = vector.shape_cast %concatenate3A_309 : vector<64x128xf32> to vector<1x64x128xf32>
    tpu.vector_store %arg3[%swap3A_310, %swap3A_311, %swap3A_312], %swap3A_315 {strides = array<i32>} : memref<1x64x8192xf32, #tpu.memory_space<vmem>>, vector<1x64x128xf32>,
    %slice3A_316 = vector.extract_strided_slice %mul3A_3 {offsets = [0, 2240], sizes = [64, 64], strides = [1, 1]} : vector<128x4096xf32> to vector<64x64xf32>
    %slice3A_317 = vector.extract_strided_slice %mul3A_3 {offsets = [64, 2240], sizes = [64, 64], strides = [1, 1]} : vector<128x4096xf32> to vector<64x64xf32>
    %concatenate3A_318 = tpu.concatenate %slice3A_316, %slice3A_317 in 1 : vector<64x64xf32>, vector<64x64xf32> -> vector<64x128xf32>
    %swap3A_319 = arith.constant 0 : index
    %swap3A_320 = arith.constant 0 : index
    %swap3A_321 = arith.constant 4480 : index
    %swap3A_322 = vector.load %arg3[%swap3A_319, %swap3A_320, %swap3A_321] : memref<1x64x8192xf32, #tpu.memory_space<vmem>>, vector<1x64x128xf32>
    %swap3A_323 = vector.shape_cast %swap3A_322 : vector<1x64x128xf32> to vector<64x128xf32>
    %swap3A_324 = vector.shape_cast %concatenate3A_318 : vector<64x128xf32> to vector<1x64x128xf32>
    tpu.vector_store %arg3[%swap3A_319, %swap3A_320, %swap3A_321], %swap3A_324 {strides = array<i32>} : memref<1x64x8192xf32, #tpu.memory_space<vmem>>, vector<1x64x128xf32>,
    %slice3A_325 = vector.extract_strided_slice %mul3A_3 {offsets = [0, 2304], sizes = [64, 64], strides = [1, 1]} : vector<128x4096xf32> to vector<64x64xf32>
    %slice3A_326 = vector.extract_strided_slice %mul3A_3 {offsets = [64, 2304], sizes = [64, 64], strides = [1, 1]} : vector<128x4096xf32> to vector<64x64xf32>
    %concatenate3A_327 = tpu.concatenate %slice3A_325, %slice3A_326 in 1 : vector<64x64xf32>, vector<64x64xf32> -> vector<64x128xf32>
    %swap3A_328 = arith.constant 0 : index
    %swap3A_329 = arith.constant 0 : index
    %swap3A_330 = arith.constant 4608 : index
    %swap3A_331 = vector.load %arg3[%swap3A_328, %swap3A_329, %swap3A_330] : memref<1x64x8192xf32, #tpu.memory_space<vmem>>, vector<1x64x128xf32>
    %swap3A_332 = vector.shape_cast %swap3A_331 : vector<1x64x128xf32> to vector<64x128xf32>
    %swap3A_333 = vector.shape_cast %concatenate3A_327 : vector<64x128xf32> to vector<1x64x128xf32>
    tpu.vector_store %arg3[%swap3A_328, %swap3A_329, %swap3A_330], %swap3A_333 {strides = array<i32>} : memref<1x64x8192xf32, #tpu.memory_space<vmem>>, vector<1x64x128xf32>,
    %slice3A_334 = vector.extract_strided_slice %mul3A_3 {offsets = [0, 2368], sizes = [64, 64], strides = [1, 1]} : vector<128x4096xf32> to vector<64x64xf32>
    %slice3A_335 = vector.extract_strided_slice %mul3A_3 {offsets = [64, 2368], sizes = [64, 64], strides = [1, 1]} : vector<128x4096xf32> to vector<64x64xf32>
    %concatenate3A_336 = tpu.concatenate %slice3A_334, %slice3A_335 in 1 : vector<64x64xf32>, vector<64x64xf32> -> vector<64x128xf32>
    %swap3A_337 = arith.constant 0 : index
    %swap3A_338 = arith.constant 0 : index
    %swap3A_339 = arith.constant 4736 : index
    %swap3A_340 = vector.load %arg3[%swap3A_337, %swap3A_338, %swap3A_339] : memref<1x64x8192xf32, #tpu.memory_space<vmem>>, vector<1x64x128xf32>
    %swap3A_341 = vector.shape_cast %swap3A_340 : vector<1x64x128xf32> to vector<64x128xf32>
    %swap3A_342 = vector.shape_cast %concatenate3A_336 : vector<64x128xf32> to vector<1x64x128xf32>
    tpu.vector_store %arg3[%swap3A_337, %swap3A_338, %swap3A_339], %swap3A_342 {strides = array<i32>} : memref<1x64x8192xf32, #tpu.memory_space<vmem>>, vector<1x64x128xf32>,
    %slice3A_343 = vector.extract_strided_slice %mul3A_3 {offsets = [0, 2432], sizes = [64, 64], strides = [1, 1]} : vector<128x4096xf32> to vector<64x64xf32>
    %slice3A_344 = vector.extract_strided_slice %mul3A_3 {offsets = [64, 2432], sizes = [64, 64], strides = [1, 1]} : vector<128x4096xf32> to vector<64x64xf32>
    %concatenate3A_345 = tpu.concatenate %slice3A_343, %slice3A_344 in 1 : vector<64x64xf32>, vector<64x64xf32> -> vector<64x128xf32>
    %swap3A_346 = arith.constant 0 : index
    %swap3A_347 = arith.constant 0 : index
    %swap3A_348 = arith.constant 4864 : index
    %swap3A_349 = vector.load %arg3[%swap3A_346, %swap3A_347, %swap3A_348] : memref<1x64x8192xf32, #tpu.memory_space<vmem>>, vector<1x64x128xf32>
    %swap3A_350 = vector.shape_cast %swap3A_349 : vector<1x64x128xf32> to vector<64x128xf32>
    %swap3A_351 = vector.shape_cast %concatenate3A_345 : vector<64x128xf32> to vector<1x64x128xf32>
    tpu.vector_store %arg3[%swap3A_346, %swap3A_347, %swap3A_348], %swap3A_351 {strides = array<i32>} : memref<1x64x8192xf32, #tpu.memory_space<vmem>>, vector<1x64x128xf32>,
    %slice3A_352 = vector.extract_strided_slice %mul3A_3 {offsets = [0, 2496], sizes = [64, 64], strides = [1, 1]} : vector<128x4096xf32> to vector<64x64xf32>
    %slice3A_353 = vector.extract_strided_slice %mul3A_3 {offsets = [64, 2496], sizes = [64, 64], strides = [1, 1]} : vector<128x4096xf32> to vector<64x64xf32>
    %concatenate3A_354 = tpu.concatenate %slice3A_352, %slice3A_353 in 1 : vector<64x64xf32>, vector<64x64xf32> -> vector<64x128xf32>
    %swap3A_355 = arith.constant 0 : index
    %swap3A_356 = arith.constant 0 : index
    %swap3A_357 = arith.constant 4992 : index
    %swap3A_358 = vector.load %arg3[%swap3A_355, %swap3A_356, %swap3A_357] : memref<1x64x8192xf32, #tpu.memory_space<vmem>>, vector<1x64x128xf32>
    %swap3A_359 = vector.shape_cast %swap3A_358 : vector<1x64x128xf32> to vector<64x128xf32>
    %swap3A_360 = vector.shape_cast %concatenate3A_354 : vector<64x128xf32> to vector<1x64x128xf32>
    tpu.vector_store %arg3[%swap3A_355, %swap3A_356, %swap3A_357], %swap3A_360 {strides = array<i32>} : memref<1x64x8192xf32, #tpu.memory_space<vmem>>, vector<1x64x128xf32>,
    %slice3A_361 = vector.extract_strided_slice %mul3A_3 {offsets = [0, 2560], sizes = [64, 64], strides = [1, 1]} : vector<128x4096xf32> to vector<64x64xf32>
    %slice3A_362 = vector.extract_strided_slice %mul3A_3 {offsets = [64, 2560], sizes = [64, 64], strides = [1, 1]} : vector<128x4096xf32> to vector<64x64xf32>
    %concatenate3A_363 = tpu.concatenate %slice3A_361, %slice3A_362 in 1 : vector<64x64xf32>, vector<64x64xf32> -> vector<64x128xf32>
    %swap3A_364 = arith.constant 0 : index
    %swap3A_365 = arith.constant 0 : index
    %swap3A_366 = arith.constant 5120 : index
    %swap3A_367 = vector.load %arg3[%swap3A_364, %swap3A_365, %swap3A_366] : memref<1x64x8192xf32, #tpu.memory_space<vmem>>, vector<1x64x128xf32>
    %swap3A_368 = vector.shape_cast %swap3A_367 : vector<1x64x128xf32> to vector<64x128xf32>
    %swap3A_369 = vector.shape_cast %concatenate3A_363 : vector<64x128xf32> to vector<1x64x128xf32>
    tpu.vector_store %arg3[%swap3A_364, %swap3A_365, %swap3A_366], %swap3A_369 {strides = array<i32>} : memref<1x64x8192xf32, #tpu.memory_space<vmem>>, vector<1x64x128xf32>,
    %slice3A_370 = vector.extract_strided_slice %mul3A_3 {offsets = [0, 2624], sizes = [64, 64], strides = [1, 1]} : vector<128x4096xf32> to vector<64x64xf32>
    %slice3A_371 = vector.extract_strided_slice %mul3A_3 {offsets = [64, 2624], sizes = [64, 64], strides = [1, 1]} : vector<128x4096xf32> to vector<64x64xf32>
    %concatenate3A_372 = tpu.concatenate %slice3A_370, %slice3A_371 in 1 : vector<64x64xf32>, vector<64x64xf32> -> vector<64x128xf32>
    %swap3A_373 = arith.constant 0 : index
    %swap3A_374 = arith.constant 0 : index
    %swap3A_375 = arith.constant 5248 : index
    %swap3A_376 = vector.load %arg3[%swap3A_373, %swap3A_374, %swap3A_375] : memref<1x64x8192xf32, #tpu.memory_space<vmem>>, vector<1x64x128xf32>
    %swap3A_377 = vector.shape_cast %swap3A_376 : vector<1x64x128xf32> to vector<64x128xf32>
    %swap3A_378 = vector.shape_cast %concatenate3A_372 : vector<64x128xf32> to vector<1x64x128xf32>
    tpu.vector_store %arg3[%swap3A_373, %swap3A_374, %swap3A_375], %swap3A_378 {strides = array<i32>} : memref<1x64x8192xf32, #tpu.memory_space<vmem>>, vector<1x64x128xf32>,
    %slice3A_379 = vector.extract_strided_slice %mul3A_3 {offsets = [0, 2688], sizes = [64, 64], strides = [1, 1]} : vector<128x4096xf32> to vector<64x64xf32>
    %slice3A_380 = vector.extract_strided_slice %mul3A_3 {offsets = [64, 2688], sizes = [64, 64], strides = [1, 1]} : vector<128x4096xf32> to vector<64x64xf32>
    %concatenate3A_381 = tpu.concatenate %slice3A_379, %slice3A_380 in 1 : vector<64x64xf32>, vector<64x64xf32> -> vector<64x128xf32>
    %swap3A_382 = arith.constant 0 : index
    %swap3A_383 = arith.constant 0 : index
    %swap3A_384 = arith.constant 5376 : index
    %swap3A_385 = vector.load %arg3[%swap3A_382, %swap3A_383, %swap3A_384] : memref<1x64x8192xf32, #tpu.memory_space<vmem>>, vector<1x64x128xf32>
    %swap3A_386 = vector.shape_cast %swap3A_385 : vector<1x64x128xf32> to vector<64x128xf32>
    %swap3A_387 = vector.shape_cast %concatenate3A_381 : vector<64x128xf32> to vector<1x64x128xf32>
    tpu.vector_store %arg3[%swap3A_382, %swap3A_383, %swap3A_384], %swap3A_387 {strides = array<i32>} : memref<1x64x8192xf32, #tpu.memory_space<vmem>>, vector<1x64x128xf32>,
    %slice3A_388 = vector.extract_strided_slice %mul3A_3 {offsets = [0, 2752], sizes = [64, 64], strides = [1, 1]} : vector<128x4096xf32> to vector<64x64xf32>
    %slice3A_389 = vector.extract_strided_slice %mul3A_3 {offsets = [64, 2752], sizes = [64, 64], strides = [1, 1]} : vector<128x4096xf32> to vector<64x64xf32>
    %concatenate3A_390 = tpu.concatenate %slice3A_388, %slice3A_389 in 1 : vector<64x64xf32>, vector<64x64xf32> -> vector<64x128xf32>
    %swap3A_391 = arith.constant 0 : index
    %swap3A_392 = arith.constant 0 : index
    %swap3A_393 = arith.constant 5504 : index
    %swap3A_394 = vector.load %arg3[%swap3A_391, %swap3A_392, %swap3A_393] : memref<1x64x8192xf32, #tpu.memory_space<vmem>>, vector<1x64x128xf32>
    %swap3A_395 = vector.shape_cast %swap3A_394 : vector<1x64x128xf32> to vector<64x128xf32>
    %swap3A_396 = vector.shape_cast %concatenate3A_390 : vector<64x128xf32> to vector<1x64x128xf32>
    tpu.vector_store %arg3[%swap3A_391, %swap3A_392, %swap3A_393], %swap3A_396 {strides = array<i32>} : memref<1x64x8192xf32, #tpu.memory_space<vmem>>, vector<1x64x128xf32>,
    %slice3A_397 = vector.extract_strided_slice %mul3A_3 {offsets = [0, 2816], sizes = [64, 64], strides = [1, 1]} : vector<128x4096xf32> to vector<64x64xf32>
    %slice3A_398 = vector.extract_strided_slice %mul3A_3 {offsets = [64, 2816], sizes = [64, 64], strides = [1, 1]} : vector<128x4096xf32> to vector<64x64xf32>
    %concatenate3A_399 = tpu.concatenate %slice3A_397, %slice3A_398 in 1 : vector<64x64xf32>, vector<64x64xf32> -> vector<64x128xf32>
    %swap3A_400 = arith.constant 0 : index
    %swap3A_401 = arith.constant 0 : index
    %swap3A_402 = arith.constant 5632 : index
    %swap3A_403 = vector.load %arg3[%swap3A_400, %swap3A_401, %swap3A_402] : memref<1x64x8192xf32, #tpu.memory_space<vmem>>, vector<1x64x128xf32>
    %swap3A_404 = vector.shape_cast %swap3A_403 : vector<1x64x128xf32> to vector<64x128xf32>
    %swap3A_405 = vector.shape_cast %concatenate3A_399 : vector<64x128xf32> to vector<1x64x128xf32>
    tpu.vector_store %arg3[%swap3A_400, %swap3A_401, %swap3A_402], %swap3A_405 {strides = array<i32>} : memref<1x64x8192xf32, #tpu.memory_space<vmem>>, vector<1x64x128xf32>,
    %slice3A_406 = vector.extract_strided_slice %mul3A_3 {offsets = [0, 2880], sizes = [64, 64], strides = [1, 1]} : vector<128x4096xf32> to vector<64x64xf32>
    %slice3A_407 = vector.extract_strided_slice %mul3A_3 {offsets = [64, 2880], sizes = [64, 64], strides = [1, 1]} : vector<128x4096xf32> to vector<64x64xf32>
    %concatenate3A_408 = tpu.concatenate %slice3A_406, %slice3A_407 in 1 : vector<64x64xf32>, vector<64x64xf32> -> vector<64x128xf32>
    %swap3A_409 = arith.constant 0 : index
    %swap3A_410 = arith.constant 0 : index
    %swap3A_411 = arith.constant 5760 : index
    %swap3A_412 = vector.load %arg3[%swap3A_409, %swap3A_410, %swap3A_411] : memref<1x64x8192xf32, #tpu.memory_space<vmem>>, vector<1x64x128xf32>
    %swap3A_413 = vector.shape_cast %swap3A_412 : vector<1x64x128xf32> to vector<64x128xf32>
    %swap3A_414 = vector.shape_cast %concatenate3A_408 : vector<64x128xf32> to vector<1x64x128xf32>
    tpu.vector_store %arg3[%swap3A_409, %swap3A_410, %swap3A_411], %swap3A_414 {strides = array<i32>} : memref<1x64x8192xf32, #tpu.memory_space<vmem>>, vector<1x64x128xf32>,
    %slice3A_415 = vector.extract_strided_slice %mul3A_3 {offsets = [0, 2944], sizes = [64, 64], strides = [1, 1]} : vector<128x4096xf32> to vector<64x64xf32>
    %slice3A_416 = vector.extract_strided_slice %mul3A_3 {offsets = [64, 2944], sizes = [64, 64], strides = [1, 1]} : vector<128x4096xf32> to vector<64x64xf32>
    %concatenate3A_417 = tpu.concatenate %slice3A_415, %slice3A_416 in 1 : vector<64x64xf32>, vector<64x64xf32> -> vector<64x128xf32>
    %swap3A_418 = arith.constant 0 : index
    %swap3A_419 = arith.constant 0 : index
    %swap3A_420 = arith.constant 5888 : index
    %swap3A_421 = vector.load %arg3[%swap3A_418, %swap3A_419, %swap3A_420] : memref<1x64x8192xf32, #tpu.memory_space<vmem>>, vector<1x64x128xf32>
    %swap3A_422 = vector.shape_cast %swap3A_421 : vector<1x64x128xf32> to vector<64x128xf32>
    %swap3A_423 = vector.shape_cast %concatenate3A_417 : vector<64x128xf32> to vector<1x64x128xf32>
    tpu.vector_store %arg3[%swap3A_418, %swap3A_419, %swap3A_420], %swap3A_423 {strides = array<i32>} : memref<1x64x8192xf32, #tpu.memory_space<vmem>>, vector<1x64x128xf32>,
    %slice3A_424 = vector.extract_strided_slice %mul3A_3 {offsets = [0, 3008], sizes = [64, 64], strides = [1, 1]} : vector<128x4096xf32> to vector<64x64xf32>
    %slice3A_425 = vector.extract_strided_slice %mul3A_3 {offsets = [64, 3008], sizes = [64, 64], strides = [1, 1]} : vector<128x4096xf32> to vector<64x64xf32>
    %concatenate3A_426 = tpu.concatenate %slice3A_424, %slice3A_425 in 1 : vector<64x64xf32>, vector<64x64xf32> -> vector<64x128xf32>
    %swap3A_427 = arith.constant 0 : index
    %swap3A_428 = arith.constant 0 : index
    %swap3A_429 = arith.constant 6016 : index
    %swap3A_430 = vector.load %arg3[%swap3A_427, %swap3A_428, %swap3A_429] : memref<1x64x8192xf32, #tpu.memory_space<vmem>>, vector<1x64x128xf32>
    %swap3A_431 = vector.shape_cast %swap3A_430 : vector<1x64x128xf32> to vector<64x128xf32>
    %swap3A_432 = vector.shape_cast %concatenate3A_426 : vector<64x128xf32> to vector<1x64x128xf32>
    tpu.vector_store %arg3[%swap3A_427, %swap3A_428, %swap3A_429], %swap3A_432 {strides = array<i32>} : memref<1x64x8192xf32, #tpu.memory_space<vmem>>, vector<1x64x128xf32>,
    %slice3A_433 = vector.extract_strided_slice %mul3A_3 {offsets = [0, 3072], sizes = [64, 64], strides = [1, 1]} : vector<128x4096xf32> to vector<64x64xf32>
    %slice3A_434 = vector.extract_strided_slice %mul3A_3 {offsets = [64, 3072], sizes = [64, 64], strides = [1, 1]} : vector<128x4096xf32> to vector<64x64xf32>
    %concatenate3A_435 = tpu.concatenate %slice3A_433, %slice3A_434 in 1 : vector<64x64xf32>, vector<64x64xf32> -> vector<64x128xf32>
    %swap3A_436 = arith.constant 0 : index
    %swap3A_437 = arith.constant 0 : index
    %swap3A_438 = arith.constant 6144 : index
    %swap3A_439 = vector.load %arg3[%swap3A_436, %swap3A_437, %swap3A_438] : memref<1x64x8192xf32, #tpu.memory_space<vmem>>, vector<1x64x128xf32>
    %swap3A_440 = vector.shape_cast %swap3A_439 : vector<1x64x128xf32> to vector<64x128xf32>
    %swap3A_441 = vector.shape_cast %concatenate3A_435 : vector<64x128xf32> to vector<1x64x128xf32>
    tpu.vector_store %arg3[%swap3A_436, %swap3A_437, %swap3A_438], %swap3A_441 {strides = array<i32>} : memref<1x64x8192xf32, #tpu.memory_space<vmem>>, vector<1x64x128xf32>,
    %slice3A_442 = vector.extract_strided_slice %mul3A_3 {offsets = [0, 3136], sizes = [64, 64], strides = [1, 1]} : vector<128x4096xf32> to vector<64x64xf32>
    %slice3A_443 = vector.extract_strided_slice %mul3A_3 {offsets = [64, 3136], sizes = [64, 64], strides = [1, 1]} : vector<128x4096xf32> to vector<64x64xf32>
    %concatenate3A_444 = tpu.concatenate %slice3A_442, %slice3A_443 in 1 : vector<64x64xf32>, vector<64x64xf32> -> vector<64x128xf32>
    %swap3A_445 = arith.constant 0 : index
    %swap3A_446 = arith.constant 0 : index
    %swap3A_447 = arith.constant 6272 : index
    %swap3A_448 = vector.load %arg3[%swap3A_445, %swap3A_446, %swap3A_447] : memref<1x64x8192xf32, #tpu.memory_space<vmem>>, vector<1x64x128xf32>
    %swap3A_449 = vector.shape_cast %swap3A_448 : vector<1x64x128xf32> to vector<64x128xf32>
    %swap3A_450 = vector.shape_cast %concatenate3A_444 : vector<64x128xf32> to vector<1x64x128xf32>
    tpu.vector_store %arg3[%swap3A_445, %swap3A_446, %swap3A_447], %swap3A_450 {strides = array<i32>} : memref<1x64x8192xf32, #tpu.memory_space<vmem>>, vector<1x64x128xf32>,
    %slice3A_451 = vector.extract_strided_slice %mul3A_3 {offsets = [0, 3200], sizes = [64, 64], strides = [1, 1]} : vector<128x4096xf32> to vector<64x64xf32>
    %slice3A_452 = vector.extract_strided_slice %mul3A_3 {offsets = [64, 3200], sizes = [64, 64], strides = [1, 1]} : vector<128x4096xf32> to vector<64x64xf32>
    %concatenate3A_453 = tpu.concatenate %slice3A_451, %slice3A_452 in 1 : vector<64x64xf32>, vector<64x64xf32> -> vector<64x128xf32>
    %swap3A_454 = arith.constant 0 : index
    %swap3A_455 = arith.constant 0 : index
    %swap3A_456 = arith.constant 6400 : index
    %swap3A_457 = vector.load %arg3[%swap3A_454, %swap3A_455, %swap3A_456] : memref<1x64x8192xf32, #tpu.memory_space<vmem>>, vector<1x64x128xf32>
    %swap3A_458 = vector.shape_cast %swap3A_457 : vector<1x64x128xf32> to vector<64x128xf32>
    %swap3A_459 = vector.shape_cast %concatenate3A_453 : vector<64x128xf32> to vector<1x64x128xf32>
    tpu.vector_store %arg3[%swap3A_454, %swap3A_455, %swap3A_456], %swap3A_459 {strides = array<i32>} : memref<1x64x8192xf32, #tpu.memory_space<vmem>>, vector<1x64x128xf32>,
    %slice3A_460 = vector.extract_strided_slice %mul3A_3 {offsets = [0, 3264], sizes = [64, 64], strides = [1, 1]} : vector<128x4096xf32> to vector<64x64xf32>
    %slice3A_461 = vector.extract_strided_slice %mul3A_3 {offsets = [64, 3264], sizes = [64, 64], strides = [1, 1]} : vector<128x4096xf32> to vector<64x64xf32>
    %concatenate3A_462 = tpu.concatenate %slice3A_460, %slice3A_461 in 1 : vector<64x64xf32>, vector<64x64xf32> -> vector<64x128xf32>
    %swap3A_463 = arith.constant 0 : index
    %swap3A_464 = arith.constant 0 : index
    %swap3A_465 = arith.constant 6528 : index
    %swap3A_466 = vector.load %arg3[%swap3A_463, %swap3A_464, %swap3A_465] : memref<1x64x8192xf32, #tpu.memory_space<vmem>>, vector<1x64x128xf32>
    %swap3A_467 = vector.shape_cast %swap3A_466 : vector<1x64x128xf32> to vector<64x128xf32>
    %swap3A_468 = vector.shape_cast %concatenate3A_462 : vector<64x128xf32> to vector<1x64x128xf32>
    tpu.vector_store %arg3[%swap3A_463, %swap3A_464, %swap3A_465], %swap3A_468 {strides = array<i32>} : memref<1x64x8192xf32, #tpu.memory_space<vmem>>, vector<1x64x128xf32>,
    %slice3A_469 = vector.extract_strided_slice %mul3A_3 {offsets = [0, 3328], sizes = [64, 64], strides = [1, 1]} : vector<128x4096xf32> to vector<64x64xf32>
    %slice3A_470 = vector.extract_strided_slice %mul3A_3 {offsets = [64, 3328], sizes = [64, 64], strides = [1, 1]} : vector<128x4096xf32> to vector<64x64xf32>
    %concatenate3A_471 = tpu.concatenate %slice3A_469, %slice3A_470 in 1 : vector<64x64xf32>, vector<64x64xf32> -> vector<64x128xf32>
    %swap3A_472 = arith.constant 0 : index
    %swap3A_473 = arith.constant 0 : index
    %swap3A_474 = arith.constant 6656 : index
    %swap3A_475 = vector.load %arg3[%swap3A_472, %swap3A_473, %swap3A_474] : memref<1x64x8192xf32, #tpu.memory_space<vmem>>, vector<1x64x128xf32>
    %swap3A_476 = vector.shape_cast %swap3A_475 : vector<1x64x128xf32> to vector<64x128xf32>
    %swap3A_477 = vector.shape_cast %concatenate3A_471 : vector<64x128xf32> to vector<1x64x128xf32>
    tpu.vector_store %arg3[%swap3A_472, %swap3A_473, %swap3A_474], %swap3A_477 {strides = array<i32>} : memref<1x64x8192xf32, #tpu.memory_space<vmem>>, vector<1x64x128xf32>,
    %slice3A_478 = vector.extract_strided_slice %mul3A_3 {offsets = [0, 3392], sizes = [64, 64], strides = [1, 1]} : vector<128x4096xf32> to vector<64x64xf32>
    %slice3A_479 = vector.extract_strided_slice %mul3A_3 {offsets = [64, 3392], sizes = [64, 64], strides = [1, 1]} : vector<128x4096xf32> to vector<64x64xf32>
    %concatenate3A_480 = tpu.concatenate %slice3A_478, %slice3A_479 in 1 : vector<64x64xf32>, vector<64x64xf32> -> vector<64x128xf32>
    %swap3A_481 = arith.constant 0 : index
    %swap3A_482 = arith.constant 0 : index
    %swap3A_483 = arith.constant 6784 : index
    %swap3A_484 = vector.load %arg3[%swap3A_481, %swap3A_482, %swap3A_483] : memref<1x64x8192xf32, #tpu.memory_space<vmem>>, vector<1x64x128xf32>
    %swap3A_485 = vector.shape_cast %swap3A_484 : vector<1x64x128xf32> to vector<64x128xf32>
    %swap3A_486 = vector.shape_cast %concatenate3A_480 : vector<64x128xf32> to vector<1x64x128xf32>
    tpu.vector_store %arg3[%swap3A_481, %swap3A_482, %swap3A_483], %swap3A_486 {strides = array<i32>} : memref<1x64x8192xf32, #tpu.memory_space<vmem>>, vector<1x64x128xf32>,
    %slice3A_487 = vector.extract_strided_slice %mul3A_3 {offsets = [0, 3456], sizes = [64, 64], strides = [1, 1]} : vector<128x4096xf32> to vector<64x64xf32>
    %slice3A_488 = vector.extract_strided_slice %mul3A_3 {offsets = [64, 3456], sizes = [64, 64], strides = [1, 1]} : vector<128x4096xf32> to vector<64x64xf32>
    %concatenate3A_489 = tpu.concatenate %slice3A_487, %slice3A_488 in 1 : vector<64x64xf32>, vector<64x64xf32> -> vector<64x128xf32>
    %swap3A_490 = arith.constant 0 : index
    %swap3A_491 = arith.constant 0 : index
    %swap3A_492 = arith.constant 6912 : index
    %swap3A_493 = vector.load %arg3[%swap3A_490, %swap3A_491, %swap3A_492] : memref<1x64x8192xf32, #tpu.memory_space<vmem>>, vector<1x64x128xf32>
    %swap3A_494 = vector.shape_cast %swap3A_493 : vector<1x64x128xf32> to vector<64x128xf32>
    %swap3A_495 = vector.shape_cast %concatenate3A_489 : vector<64x128xf32> to vector<1x64x128xf32>
    tpu.vector_store %arg3[%swap3A_490, %swap3A_491, %swap3A_492], %swap3A_495 {strides = array<i32>} : memref<1x64x8192xf32, #tpu.memory_space<vmem>>, vector<1x64x128xf32>,
    %slice3A_496 = vector.extract_strided_slice %mul3A_3 {offsets = [0, 3520], sizes = [64, 64], strides = [1, 1]} : vector<128x4096xf32> to vector<64x64xf32>
    %slice3A_497 = vector.extract_strided_slice %mul3A_3 {offsets = [64, 3520], sizes = [64, 64], strides = [1, 1]} : vector<128x4096xf32> to vector<64x64xf32>
    %concatenate3A_498 = tpu.concatenate %slice3A_496, %slice3A_497 in 1 : vector<64x64xf32>, vector<64x64xf32> -> vector<64x128xf32>
    %swap3A_499 = arith.constant 0 : index
    %swap3A_500 = arith.constant 0 : index
    %swap3A_501 = arith.constant 7040 : index
    %swap3A_502 = vector.load %arg3[%swap3A_499, %swap3A_500, %swap3A_501] : memref<1x64x8192xf32, #tpu.memory_space<vmem>>, vector<1x64x128xf32>
    %swap3A_503 = vector.shape_cast %swap3A_502 : vector<1x64x128xf32> to vector<64x128xf32>
    %swap3A_504 = vector.shape_cast %concatenate3A_498 : vector<64x128xf32> to vector<1x64x128xf32>
    tpu.vector_store %arg3[%swap3A_499, %swap3A_500, %swap3A_501], %swap3A_504 {strides = array<i32>} : memref<1x64x8192xf32, #tpu.memory_space<vmem>>, vector<1x64x128xf32>,
    %slice3A_505 = vector.extract_strided_slice %mul3A_3 {offsets = [0, 3584], sizes = [64, 64], strides = [1, 1]} : vector<128x4096xf32> to vector<64x64xf32>
    %slice3A_506 = vector.extract_strided_slice %mul3A_3 {offsets = [64, 3584], sizes = [64, 64], strides = [1, 1]} : vector<128x4096xf32> to vector<64x64xf32>
    %concatenate3A_507 = tpu.concatenate %slice3A_505, %slice3A_506 in 1 : vector<64x64xf32>, vector<64x64xf32> -> vector<64x128xf32>
    %swap3A_508 = arith.constant 0 : index
    %swap3A_509 = arith.constant 0 : index
    %swap3A_510 = arith.constant 7168 : index
    %swap3A_511 = vector.load %arg3[%swap3A_508, %swap3A_509, %swap3A_510] : memref<1x64x8192xf32, #tpu.memory_space<vmem>>, vector<1x64x128xf32>
    %swap3A_512 = vector.shape_cast %swap3A_511 : vector<1x64x128xf32> to vector<64x128xf32>
    %swap3A_513 = vector.shape_cast %concatenate3A_507 : vector<64x128xf32> to vector<1x64x128xf32>
    tpu.vector_store %arg3[%swap3A_508, %swap3A_509, %swap3A_510], %swap3A_513 {strides = array<i32>} : memref<1x64x8192xf32, #tpu.memory_space<vmem>>, vector<1x64x128xf32>,
    %slice3A_514 = vector.extract_strided_slice %mul3A_3 {offsets = [0, 3648], sizes = [64, 64], strides = [1, 1]} : vector<128x4096xf32> to vector<64x64xf32>
    %slice3A_515 = vector.extract_strided_slice %mul3A_3 {offsets = [64, 3648], sizes = [64, 64], strides = [1, 1]} : vector<128x4096xf32> to vector<64x64xf32>
    %concatenate3A_516 = tpu.concatenate %slice3A_514, %slice3A_515 in 1 : vector<64x64xf32>, vector<64x64xf32> -> vector<64x128xf32>
    %swap3A_517 = arith.constant 0 : index
    %swap3A_518 = arith.constant 0 : index
    %swap3A_519 = arith.constant 7296 : index
    %swap3A_520 = vector.load %arg3[%swap3A_517, %swap3A_518, %swap3A_519] : memref<1x64x8192xf32, #tpu.memory_space<vmem>>, vector<1x64x128xf32>
    %swap3A_521 = vector.shape_cast %swap3A_520 : vector<1x64x128xf32> to vector<64x128xf32>
    %swap3A_522 = vector.shape_cast %concatenate3A_516 : vector<64x128xf32> to vector<1x64x128xf32>
    tpu.vector_store %arg3[%swap3A_517, %swap3A_518, %swap3A_519], %swap3A_522 {strides = array<i32>} : memref<1x64x8192xf32, #tpu.memory_space<vmem>>, vector<1x64x128xf32>,
    %slice3A_523 = vector.extract_strided_slice %mul3A_3 {offsets = [0, 3712], sizes = [64, 64], strides = [1, 1]} : vector<128x4096xf32> to vector<64x64xf32>
    %slice3A_524 = vector.extract_strided_slice %mul3A_3 {offsets = [64, 3712], sizes = [64, 64], strides = [1, 1]} : vector<128x4096xf32> to vector<64x64xf32>
    %concatenate3A_525 = tpu.concatenate %slice3A_523, %slice3A_524 in 1 : vector<64x64xf32>, vector<64x64xf32> -> vector<64x128xf32>
    %swap3A_526 = arith.constant 0 : index
    %swap3A_527 = arith.constant 0 : index
    %swap3A_528 = arith.constant 7424 : index
    %swap3A_529 = vector.load %arg3[%swap3A_526, %swap3A_527, %swap3A_528] : memref<1x64x8192xf32, #tpu.memory_space<vmem>>, vector<1x64x128xf32>
    %swap3A_530 = vector.shape_cast %swap3A_529 : vector<1x64x128xf32> to vector<64x128xf32>
    %swap3A_531 = vector.shape_cast %concatenate3A_525 : vector<64x128xf32> to vector<1x64x128xf32>
    tpu.vector_store %arg3[%swap3A_526, %swap3A_527, %swap3A_528], %swap3A_531 {strides = array<i32>} : memref<1x64x8192xf32, #tpu.memory_space<vmem>>, vector<1x64x128xf32>,
    %slice3A_532 = vector.extract_strided_slice %mul3A_3 {offsets = [0, 3776], sizes = [64, 64], strides = [1, 1]} : vector<128x4096xf32> to vector<64x64xf32>
    %slice3A_533 = vector.extract_strided_slice %mul3A_3 {offsets = [64, 3776], sizes = [64, 64], strides = [1, 1]} : vector<128x4096xf32> to vector<64x64xf32>
    %concatenate3A_534 = tpu.concatenate %slice3A_532, %slice3A_533 in 1 : vector<64x64xf32>, vector<64x64xf32> -> vector<64x128xf32>
    %swap3A_535 = arith.constant 0 : index
    %swap3A_536 = arith.constant 0 : index
    %swap3A_537 = arith.constant 7552 : index
    %swap3A_538 = vector.load %arg3[%swap3A_535, %swap3A_536, %swap3A_537] : memref<1x64x8192xf32, #tpu.memory_space<vmem>>, vector<1x64x128xf32>
    %swap3A_539 = vector.shape_cast %swap3A_538 : vector<1x64x128xf32> to vector<64x128xf32>
    %swap3A_540 = vector.shape_cast %concatenate3A_534 : vector<64x128xf32> to vector<1x64x128xf32>
    tpu.vector_store %arg3[%swap3A_535, %swap3A_536, %swap3A_537], %swap3A_540 {strides = array<i32>} : memref<1x64x8192xf32, #tpu.memory_space<vmem>>, vector<1x64x128xf32>,
    %slice3A_541 = vector.extract_strided_slice %mul3A_3 {offsets = [0, 3840], sizes = [64, 64], strides = [1, 1]} : vector<128x4096xf32> to vector<64x64xf32>
    %slice3A_542 = vector.extract_strided_slice %mul3A_3 {offsets = [64, 3840], sizes = [64, 64], strides = [1, 1]} : vector<128x4096xf32> to vector<64x64xf32>
    %concatenate3A_543 = tpu.concatenate %slice3A_541, %slice3A_542 in 1 : vector<64x64xf32>, vector<64x64xf32> -> vector<64x128xf32>
    %swap3A_544 = arith.constant 0 : index
    %swap3A_545 = arith.constant 0 : index
    %swap3A_546 = arith.constant 7680 : index
    %swap3A_547 = vector.load %arg3[%swap3A_544, %swap3A_545, %swap3A_546] : memref<1x64x8192xf32, #tpu.memory_space<vmem>>, vector<1x64x128xf32>
    %swap3A_548 = vector.shape_cast %swap3A_547 : vector<1x64x128xf32> to vector<64x128xf32>
    %swap3A_549 = vector.shape_cast %concatenate3A_543 : vector<64x128xf32> to vector<1x64x128xf32>
    tpu.vector_store %arg3[%swap3A_544, %swap3A_545, %swap3A_546], %swap3A_549 {strides = array<i32>} : memref<1x64x8192xf32, #tpu.memory_space<vmem>>, vector<1x64x128xf32>,
    %slice3A_550 = vector.extract_strided_slice %mul3A_3 {offsets = [0, 3904], sizes = [64, 64], strides = [1, 1]} : vector<128x4096xf32> to vector<64x64xf32>
    %slice3A_551 = vector.extract_strided_slice %mul3A_3 {offsets = [64, 3904], sizes = [64, 64], strides = [1, 1]} : vector<128x4096xf32> to vector<64x64xf32>
    %concatenate3A_552 = tpu.concatenate %slice3A_550, %slice3A_551 in 1 : vector<64x64xf32>, vector<64x64xf32> -> vector<64x128xf32>
    %swap3A_553 = arith.constant 0 : index
    %swap3A_554 = arith.constant 0 : index
    %swap3A_555 = arith.constant 7808 : index
    %swap3A_556 = vector.load %arg3[%swap3A_553, %swap3A_554, %swap3A_555] : memref<1x64x8192xf32, #tpu.memory_space<vmem>>, vector<1x64x128xf32>
    %swap3A_557 = vector.shape_cast %swap3A_556 : vector<1x64x128xf32> to vector<64x128xf32>
    %swap3A_558 = vector.shape_cast %concatenate3A_552 : vector<64x128xf32> to vector<1x64x128xf32>
    tpu.vector_store %arg3[%swap3A_553, %swap3A_554, %swap3A_555], %swap3A_558 {strides = array<i32>} : memref<1x64x8192xf32, #tpu.memory_space<vmem>>, vector<1x64x128xf32>,
    %slice3A_559 = vector.extract_strided_slice %mul3A_3 {offsets = [0, 3968], sizes = [64, 64], strides = [1, 1]} : vector<128x4096xf32> to vector<64x64xf32>
    %slice3A_560 = vector.extract_strided_slice %mul3A_3 {offsets = [64, 3968], sizes = [64, 64], strides = [1, 1]} : vector<128x4096xf32> to vector<64x64xf32>
    %concatenate3A_561 = tpu.concatenate %slice3A_559, %slice3A_560 in 1 : vector<64x64xf32>, vector<64x64xf32> -> vector<64x128xf32>
    %swap3A_562 = arith.constant 0 : index
    %swap3A_563 = arith.constant 0 : index
    %swap3A_564 = arith.constant 7936 : index
    %swap3A_565 = vector.load %arg3[%swap3A_562, %swap3A_563, %swap3A_564] : memref<1x64x8192xf32, #tpu.memory_space<vmem>>, vector<1x64x128xf32>
    %swap3A_566 = vector.shape_cast %swap3A_565 : vector<1x64x128xf32> to vector<64x128xf32>
    %swap3A_567 = vector.shape_cast %concatenate3A_561 : vector<64x128xf32> to vector<1x64x128xf32>
    tpu.vector_store %arg3[%swap3A_562, %swap3A_563, %swap3A_564], %swap3A_567 {strides = array<i32>} : memref<1x64x8192xf32, #tpu.memory_space<vmem>>, vector<1x64x128xf32>,
    %slice3A_568 = vector.extract_strided_slice %mul3A_3 {offsets = [0, 4032], sizes = [64, 64], strides = [1, 1]} : vector<128x4096xf32> to vector<64x64xf32>
    %slice3A_569 = vector.extract_strided_slice %mul3A_3 {offsets = [64, 4032], sizes = [64, 64], strides = [1, 1]} : vector<128x4096xf32> to vector<64x64xf32>
    %concatenate3A_570 = tpu.concatenate %slice3A_568, %slice3A_569 in 1 : vector<64x64xf32>, vector<64x64xf32> -> vector<64x128xf32>
    %swap3A_571 = arith.constant 0 : index
    %swap3A_572 = arith.constant 0 : index
    %swap3A_573 = arith.constant 8064 : index
    %swap3A_574 = vector.load %arg3[%swap3A_571, %swap3A_572, %swap3A_573] : memref<1x64x8192xf32, #tpu.memory_space<vmem>>, vector<1x64x128xf32>
    %swap3A_575 = vector.shape_cast %swap3A_574 : vector<1x64x128xf32> to vector<64x128xf32>
    %swap3A_576 = vector.shape_cast %concatenate3A_570 : vector<64x128xf32> to vector<1x64x128xf32>
    tpu.vector_store %arg3[%swap3A_571, %swap3A_572, %swap3A_573], %swap3A_576 {strides = array<i32>} : memref<1x64x8192xf32, #tpu.memory_space<vmem>>, vector<1x64x128xf32>,
    return
  }
  func.func @transform_0(%arg0: i32, %arg1: i32) -> (i32, i32) {
    %mul3A = arith.constant 2 : i32
    %mul3A_0 = arith.muli %arg0, %mul3A : i32
    %add3A = arith.addi %mul3A_0, %arg1 : i32
    %c0_i32 = arith.constant 0 : i32
    %c0_i32_1 = arith.constant 0 : i32
    return %add3A, %c0_i32 : i32, i32
  }
  func.func @transform_1(%arg0: i32, %arg1: i32) -> (i32, i32, i32) {
    %c0_i32 = arith.constant 0 : i32
    %c0_i32_0 = arith.constant 0 : i32
    return %arg0, %c0_i32, %arg1 : i32, i32, i32
  }
}

</mosaic_0001>

<sc_bundles>
// kernel: kernel.4.cloned.1.call-start
scs
__scs_entry_jumppad:
0x0: {  	(pc) =	sbr.rel $0x88, $3  }
0x1: {  	(tag) =	ssettag $0x0;
	lr =	simm.s32 $0x1  }
0x2: {  	[smem:$0x3F9F] =	sst lr;
	_ =	strace $0xD0000000  }
0x3: {  	_ = 	snop  }
0x4: {  	_ = 	snop  }
0x5: {  	_ = 	snop  }
0x6: {  	_ = 	snop  }
0x7: {  	_ = 	snop  }
__scs_overlays_trampoline_lowered:
0x8: {  	[smem:$0x3FAE] =	sst s0  }
0x9: {  	[smem:$0x3FAF] =	sst s1  }
0xa: {  	[smem:$0x3FB0] =	sst s2  }
0xb: {  	[smem:$0x3FB1] =	sst s3  }
0xc: {  	[smem:$0x3FB2] =	sst s4  }
0xd: {  	[smem:$0x3FB3] =	sst s5  }
0xe: {  	[smem:$0x3FB4] =	sst s6  }
0xf: {  	[smem:$0x3FB5] =	sst s7  }
0x10: {  	[smem:$0x3FB6] =	sst s8  }
0x11: {  	[smem:$0x3FB7] =	sst s9;
	s0 =	simm.s32 @!p0 $0x0  }
0x12: {  	s1 =	sld [smem:$0x3F9D];
	s0 =	simm.s32 @p0 $0x1  }
0x13: {  	[smem:$0x3FB8] =	sst s0;
	s0 =	simm.s32 @!p1 $0x0  }
0x14: {  	s2 =	sld [smem:$0x3F9C];
	s0 =	simm.s32 @p1 $0x1  }
0x15: {  	[smem:$0x3FB9] =	sst s0;
	s0 =	simm.s32 @!p2 $0x0  }
0x16: {  	s3 =	sld [smem:$0x3FDB];
	s0 =	simm.s32 @p2 $0x1  }
0x17: {  	s4 =	simm.s32 $0x1BF5;
	[smem:$0x3FBB] =	sst s0  }
0x18: {  	s0 =	sld [smem:$0x3F9E];
	_ =	swait.ge [sflag:s4], $0x0  }
0x19: {  	s7 =	sld [smem:$0x3F9F]  }
0x1a: {  	s8 =	sadd.s32 $0xFFFFE003, lr  }
0x1b: {  	s9 =	sadd.s32 $0xFFFFFEF7, lr;
	s5 =	simm.s32 $0xFFFFFFFF;
	p2 =	slt.u32 s8, $0xFFFFF086  }
0x1c: {  	p1 =	slt.u32 s9, $0xF7A;
	s5 =	simm.s32 @!p2 $0x0  }
0x1d: {  	s5 =	simm.s32 @p1 $0x1;
	p0 =	seq.s32 s7, s2  }
0x1e: {  	s7 =	smul.u32 @!p0 $0xF7A, s2;
	p2 =	seq.s32 @!p0 s5, $0x0  }
0x1f: {  	s9 =	smul.u32 $0xF7A, s1;
	s8 =	simm.s32 @!p0 $0x1BF5;
	p2 =	por !p2, p0  }
0x20: {  	[sflag:s8] =	ssyncset.s32 @!p0 $0xFFFFF086;
	s6 =	sadd.s32 @!p0 s3, s7;
	s7 =	simm.s32 @!p0 $0x108  }
0x21: {  	s3 =	sadd.s32 s3, s9;
	s6 =	sadd.s32 @!p0 $0x88, s6;
	s7 =	simm.s32 @p2 $0x1082  }
0x22: {  	[simem:s7], [sflag:s8] =	dma.local @!p0 [hbm:s6], $0xF7A  }
0x23: {  	s9 =	sor.u32 $0xD0000000, s2;
	s6 =	simm.s32 $0x108;
	_ =	swait.ge @!p0 [sflag:s8], $0x0  }
0x24: {  	s3 =	sadd.s32 $0x88, s3;
	s6 =	simm.s32 @!p1 $0x1082;
	[sflag:s4] =	ssyncset.s32 $0xFFFFF086  }
0x25: {  	[simem:s6], [sflag:s4] =	dma.local [hbm:s3], $0xF7A  }
0x26: {  	[smem:$0x3F9F] =	sst s1;
	(tag) =	ssettag s2;
	_ =	strace s9  }
0x27: {  	s1 =	sld [smem:$0x3FAF]  }
0x28: {  	s2 =	sld [smem:$0x3FB0]  }
0x29: {  	s4 =	sld [smem:$0x3FB2]  }
0x2a: {  	p0 =	seq.s32 s5, $0x0;
	s5 =	sld [smem:$0x3FB3]  }
0x2b: {  	s6 =	sld [smem:$0x3FB4]  }
0x2c: {  	s7 =	sld [smem:$0x3FB5]  }
0x2d: {  	s3 =	simm.s32 $0x108;
	s8 =	sld [smem:$0x3FB6]  }
0x2e: {  	s3 =	simm.s32 @!p0 $0x1082;
	s9 =	sld [smem:$0x3FB7]  }
0x2f: {  	lr =	sadd.s32 s0, s3;
	s0 =	sld [smem:$0x3FAE]  }
0x30: {  	s3 =	sld [smem:$0x3FB1]  }
0x31: {  	[smem:$0x3FBA] =	sst s10  }
0x32: {  	s10 =	sld [smem:$0x3FB8];
	_ =	sdelay $0x3  }
0x33: {  	p0 =	seq.s32 s10, $0x1;
	s10 =	sld [smem:$0x3FBA];
	_ =	sdelay $0x3  }
0x34: {  	[smem:$0x3FBA] =	sst s10  }
0x35: {  	s10 =	sld [smem:$0x3FB9];
	_ =	sdelay $0x3  }
0x36: {  	p1 =	seq.s32 s10, $0x1;
	s10 =	sld [smem:$0x3FBA];
	_ =	sdelay $0x3  }
0x37: {  	[smem:$0x3FBA] =	sst s10  }
0x38: {  	s10 =	sld [smem:$0x3FBB]  }
0x39: {  	_ = 	snop;
	(pc) =	sbr.ind lr, $3  }
0x3a: {  	_ = 	snop  }
0x3b: {  	_ = 	snop  }
0x3c: {  	p2 =	seq.s32 s10, $0x1;
	s10 =	sld [smem:$0x3FBA]  }
0x3d: {  	_ =	shalt  }
0x3e: {  	_ =	shalt  }
0x3f: {  	_ =	shalt  }
0x40: {  	_ =	shalt  }
0x41: {  	_ =	shalt  }
0x42: {  	_ =	shalt  }
0x43: {  	_ =	shalt  }
0x44: {  	_ =	shalt  }
0x45: {  	_ =	shalt  }
0x46: {  	_ =	shalt  }
0x47: {  	_ =	shalt  }
0x48: {  	_ =	shalt  }
0x49: {  	_ =	shalt  }
0x4a: {  	_ =	shalt  }
0x4b: {  	_ =	shalt  }
0x4c: {  	_ =	shalt  }
0x4d: {  	_ =	shalt  }
0x4e: {  	_ =	shalt  }
0x4f: {  	_ =	shalt  }
0x50: {  	_ =	shalt  }
0x51: {  	_ =	shalt  }
0x52: {  	_ =	shalt  }
0x53: {  	_ =	shalt  }
0x54: {  	_ =	shalt  }
0x55: {  	_ =	shalt  }
0x56: {  	_ =	shalt  }
0x57: {  	_ =	shalt  }
0x58: {  	_ =	shalt  }
0x59: {  	_ =	shalt  }
0x5a: {  	_ =	shalt  }
0x5b: {  	_ =	shalt  }
0x5c: {  	_ =	shalt  }
0x5d: {  	_ =	shalt  }
0x5e: {  	_ =	shalt  }
0x5f: {  	_ =	shalt  }
0x60: {  	_ =	shalt  }
0x61: {  	_ =	shalt  }
0x62: {  	_ =	shalt  }
0x63: {  	_ =	shalt  }
0x64: {  	_ =	shalt  }
0x65: {  	_ =	shalt  }
0x66: {  	_ =	shalt  }
0x67: {  	_ =	shalt  }
0x68: {  	_ =	shalt  }
0x69: {  	_ =	shalt  }
0x6a: {  	_ =	shalt  }
0x6b: {  	_ =	shalt  }
0x6c: {  	_ =	shalt  }
0x6d: {  	_ =	shalt  }
0x6e: {  	_ =	shalt  }
0x6f: {  	_ =	shalt  }
0x70: {  	_ =	shalt  }
0x71: {  	_ =	shalt  }
0x72: {  	_ =	shalt  }
0x73: {  	_ =	shalt  }
0x74: {  	_ =	shalt  }
0x75: {  	_ =	shalt  }
0x76: {  	_ =	shalt  }
0x77: {  	_ =	shalt  }
0x78: {  	_ =	shalt  }
0x79: {  	_ =	shalt  }
0x7a: {  	_ =	shalt  }
0x7b: {  	_ =	shalt  }
0x7c: {  	_ =	shalt  }
0x7d: {  	_ =	shalt  }
0x7e: {  	_ =	shalt  }
0x7f: {  	_ =	shalt  }
0x80: {  	_ =	shalt  }
0x81: {  	_ =	shalt  }
0x82: {  	_ =	shalt  }
0x83: {  	_ =	shalt  }
0x84: {  	_ =	shalt  }
0x85: {  	_ =	shalt  }
0x86: {  	_ =	shalt  }
0x87: {  	_ =	shalt  }
.Lfunc_end0:
.L_simem_size_0:
called_computation_lowered:
.L_overlay_start_0:
0x88: {  	s2 =	sld [smem:$0x3FD9]  }
0x89: {  	s3 =	sld [smem:$0x3FFE];
	_ =	sdelay $0x1  }
0x8a: {  	s1 =	srdreg.scid  }
0x8b: {  	s0 =	sand.u32 $0x1, s1  }
0x8c: {  	s17 =	sshll.u32 s0, $0xA;
	s2 =	sadd.s32 s3, s2  }
0x8d: {  	s2 =	sadd.s32 s2, s17  }
0x8e: {  	[smem:$0x3FC6] =	sst s2  }
0x8f: {  	_ = 	snop  }
0x90: {  	s2 =	sld [smem:$0x3FD0];
	(tm) =	ssettm $0x1  }
0x91: {  	s18 =	sld [smem:$0x3FFB];
	_ =	sdelay $0x3  }
0x92: {  	_ =	strace s18  }
0x93: {  	s3 =	sld [smem:$0x3FFC];
	_ =	sdelay $0x3  }
0x94: {  	_ =	strace s3  }
0x95: {  	s3 =	sld [smem:$0x3FFD];
	_ =	sdelay $0x3  }
0x96: {  	_ =	strace s3  }
0x97: {  	_ =	strace $0x8FFFFFFF  }
0x98: {  	s19 =	sld [smem:$0x3FDB];
	_ =	sdelay $0x1  }
0x99: {  	s4 =	simm.s32 $_scs_section_size  }
0x9a: {  	s5 =	simm.s32 $_size__tile_overlayer_lowered;
	s6 =	simm.s32 $_tile_overlayer_lowered  }
0x9b: {  	s22 =	simm.s32 $0x1BFF;
	s21 =	sshll.u32 s6, $0x1;
	s3 =	sadd.s32 s4, s19  }
0x9c: {  	s7 =	simm.s32 $0x0;
	s20 =	sshll.u32 s5, $0x1;
	s5 =	sadd.s32 s21, s3  }
0x9d: {  	[timem:s7], [sflag:s22] =	dma.local [hbm:s5], s20  }
0x9e: {  	_ =	swait.ge [sflag:s22], s20  }
0x9f: {  	s4 =	ssub.s32 $0x0, s20;
	[sflag:s22] =	ssyncset.done $0x0  }
0xa0: {  	[sflag:s22] =	ssyncadd.s32 s4;
	_ =	sdelay $0x1  }
0xa1: {  	s23 =	simm.s32 $0x1B8B  }
0xa2: {  	_ =	swait.ge [sflag:s23], $0x1  }
0xa3: {  	[sflag:s23] =	ssyncset.done $0x0  }
0xa4: {  	s25 =	simm.s32 $0x1B8E;
	s24 =	sld [smem:$0x3FFE];
	[sflag:s23] =	ssyncadd.s32 $0xFFFFFFFF  }
0xa5: {  	s26 =	simm.s32 $execute0_lowered;
	[smem:$0x3FD2] =	sst s25  }
0xa6: {  	s5 =	sshll.u32 s26, $0x1;
	_ =	strace $0x80000046;
	[dreg:$0x1] =	wrdreg $0xFFFFFFFF  }
0xa7: {  	s28 =	simm.s32 $_size_execute0_lowered;
	s3 =	sadd.s32 s3, s5;
	[dreg:$0x0] =	wrdreg $0x0  }
0xa8: {  	s5 =	sshll.u32 s28, $0x1;
	[dreg:$0x2] =	wrdreg s3  }
0xa9: {  	[dreg:$0x3] =	wrdreg s5  }
0xaa: {  	[dreg:$0x4] =	wrdreg $0xC0  }
0xab: {  	_ =	task [dreg:s7], $0x5FFFF  }
0xac: {  	[dreg:$0x1] =	wrdreg $0xFFFFFFFF  }
0xad: {  	[dreg:$0x0] =	wrdreg $0x60  }
0xae: {  	[dreg:$0x2] =	wrdreg s2  }
0xaf: {  	[dreg:$0x3] =	wrdreg s24  }
0xb0: {  	[dreg:$0x4] =	wrdreg $0x9  }
0xb1: {  	_ =	task.clear_ibuf [dreg:s7], $0x5FFFF;
	_ =	strace $0x90000046  }
0xb2: {  	s29 =	simm.s32 $0x9;
	_ =	strace $0x80000048  }
0xb3: {  	_ =	swait.ge [sflag:s29], $0x1  }
0xb4: {  	[sflag:s29] =	ssyncadd.s32 $0xFFFFFFFF  }
0xb5: {  	_ =	strace $0x90000048  }
0xb6: {  	_ =	sfence  }
0xb7: {  	s30 =	sld [smem:$0x0];
	_ =	sdelay $0x2  }
0xb8: {  	s31 =	sshll.u32 s1, $0xD;
	s1 =	sshrl.u32 s1, $0x2  }
0xb9: {  	s3 =	sand.u32 $0x4000, s31;
	s1 =	sadd.s32 s1, s30  }
0xba: {  	s0 =	sor.u32 s3, s0;
	s1 =	sshll.u32 s1, $0x11  }
0xbb: {  	s0 =	sor.u32 s1, s0  }
0xbc: {  	s0 =	sadd.s32 $0x8F2B, s0  }
0xbd: {  	[sflag:s0] =	ssyncadd.remote.s32 $0x1  }
0xbe: {  	_ =	sfence.sel $0xFFFF  }
0xbf: {  	[dreg:$0x0] =	wrdreg $0xFFFFFFFF;
	(pc) =	sbr.abs _section_cstart, $3  }
0xc0: {  	[dreg:$0x1] =	wrdreg $0xFFFFFFFF  }
0xc1: {  	_ =	task.clear_ibuf [dreg:s7], $0x2FFFF;
	_ =	strace $0x9FFFFFFF  }
0xc2: {  	(tm) =	ssettm $0x7FFFFFFF  }
0xc3: {  	_ =	shalt  }
tec
execute0_lowered:
.L_overlay_start_1:
0x0: {  	(tag) =	ssettag $0x1  }
0x1: {  	s4 =	rddreg [dreg:$0x0]  }
0x2: {  	s5 =	rddreg [dreg:$0x1];
	s2 =	simm.s32 $0x0;
	s3 =	srdreg.scid  }
0x3: {  	s0 =	stileid.u32;
	s14 =	simm.s32 $0xA400;
	s15 =	simm.s32 $0x180  }
0x4: {  	s16 =	simm.s32 $0xC400;
	s17 =	simm.s32 $0x1;
	s18 =	simm.s32 $0x2  }
0x5: {  	s19 =	simm.s32 $0x3;
	s20 =	simm.s32 $0x4;
	s21 =	simm.s32 $0x5  }
0x6: {  	s22 =	simm.s32 $0x6;
	s23 =	simm.s32 $0x7;
	s24 =	simm.s32 $0x8  }
0x7: {  	s25 =	simm.s32 $0x0;
	[smem:$0x7FF] =	sst s2;
	s7 =	smul.u32 $0x190, s0  }
0x8: {  	s6 =	sand.u32 $0x1, s3;
	s28 =	sshll.u32 s0, $0x1;
	s30 =	smul.u32 $0x64000, s0  }
0x9: {  	s3 =	sadd.s32 $0xF42A00, s5;
	s12 =	sadd.s32 $0x600, s5;
	s10 =	smul.u32 $0xC8, s6  }
0xa: {  	s8 =	ssub.s32 $0x2, s6;
	s9 =	sor.u32 s6, s28;
	s31 =	smul.u32 $0x32000, s6  }
0xb: {  	_ =	strace $0x80000047;
	s11 =	sshrl.u32 s8, $0x1;
	s9 =	smul.u32 $0xC80, s9  }
.Ltmp0:
0xc: {  	s29 =	ssub.s32 s8, s11;
	s7 =	sadd.s32 s10, s7;
	(pc) =	sbr.rel .LBB2_1-.Ltmp0, $4  }
0xd: {  	s8 =	sadd.s32 s30, s12;
	s10 =	simm.s32 $0x80;
	s11 =	simm.s32 $0x6400  }
0xe: {  	s4 =	sadd.s32 s4, s9;
	s7 =	sshll.u32 s7, $0xA;
	s5 =	smax.u32 s29, $0x1  }
0xf: {  	s8 =	sadd.s32 s31, s8;
	s9 =	simm.s32 $0x9;
	s7 =	sadd.s32 s7, s12  }
0x10: {  	s12 =	simm.s32 $0x8400;
	s6 =	sadd.s32 $0xC00, s7;
	s7 =	sadd.s32 $0x800, s7  }
.LBB2_4:
0x11: {  	_ =	swait.ge [sflag:s21], $0x2000  }
0x12: {  	[sflag:s21] =	ssyncset.done $0x0  }
0x13: {  	[sflag:s21] =	ssyncadd.s32 $0xFFFFE000  }
0x14: {  	_ =	swait.ge [sflag:s22], $0x2000  }
0x15: {  	[sflag:s22] =	ssyncset.done $0x0  }
0x16: {  	s25 =	sadd.s32 $0x1, s25;
	[sflag:s22] =	ssyncadd.s32 $0xFFFFE000  }
0x17: {  	p0 =	sne.s32 s25, s5;
	_ =	swait.ge [sflag:s23], $0x2000  }
.Ltmp1:
0x18: {  	[sflag:s23] =	ssyncset.done $0x0;
	(pc) =	sbr.rel @!p0 .LBB2_5-.Ltmp1, $4  }
0x19: {  	[sflag:s23] =	ssyncadd.s32 $0xFFFFE000  }
0x1a: {  	_ =	swait.ge [sflag:s24], $0x2000  }
0x1b: {  	[sflag:s24] =	ssyncset.done $0x0  }
0x1c: {  	[sflag:s24] =	ssyncadd.s32 $0xFFFFE000  }
.LBB2_1:
0x1d: {  	[tilespmem:s2], [sflag:$0x9] =	stream.linear.gather [hbm4b:s4+s2], $0x6400, $0x38;
	[tilespmem:$0xE400] =	vst v63  }
0x1e: {  	_ =	swait.ge [sflag:s9], $0x6400  }
0x1f: {  	[sflag:s9] =	ssyncset.done $0x0  }
0x20: {  	[sflag:s9] =	ssyncadd.s32 $0xFFFF9C00  }
0x21: {  	[tilespmem:s11], [sflag:$0x1] =	stream.indirect.gather [hbm4b:s3+s10], $0x40, s2, s10, $0xb8;
	[tilespmem:$0xE400] =	vst v63  }
0x22: {  	_ = 	snop  }
0x23: {  	[tilespmem:s12], [sflag:$0x2] =	stream.indirect.gather [hbm4b:s3+s10], $0x40, s10, s10, $0xb8;
	[tilespmem:$0xE400] =	vst v63  }
0x24: {  	s0 =	simm.s32 $0x100;
	s26 =	smov.u32 s8  }
0x25: {  	[tilespmem:s14], [sflag:$0x3] =	stream.indirect.gather [hbm4b:s3+s10], $0x40, s0, s10, $0xb8;
	[tilespmem:$0xE400] =	vst v63  }
0x26: {  	s28 =	smov.u32 s7;
	s29 =	smov.u32 s6;
	s30 =	simm.s32 $0x0  }
0x27: {  	[tilespmem:s16], [sflag:$0x4] =	stream.indirect.gather [hbm4b:s3+s10], $0x40, s15, s10, $0xb8;
	[tilespmem:$0xE400] =	vst v63  }
.LBB2_2:
0x28: {  	_ =	swait.ge [sflag:s17], $0x2000  }
0x29: {  	p0 =	seq.s32 s30, $0x18800;
	[sflag:s17] =	ssyncset.done $0x0  }
0x2a: {  	s31 =	simm.s32 @!p0 $0x5;
	[sflag:s17] =	ssyncadd.s32 $0xFFFFE000  }
0x2b: {  	[hbm4b:s26+s2] =	stream.linear.scatter [tilespmem:s11], [sflag:$0x5], $0x2000, $0x38;
	[tilespmem:$0xE400] =	vst v63  }
0x2c: {  	_ =	swait.ge @!p0 [sflag:s31], $0x2000  }
0x2d: {  	[sflag:s31] =	ssyncset.done @!p0 $0x0  }
0x2e: {  	[sflag:s31] =	ssyncadd.s32 @!p0 $0xFFFFE000;
	s31 =	sshra.s32 @!p0 s30, $0x2  }
0x2f: {  	s1 =	simm.s32 @!p0 $0x80;
	s13 =	simm.s32 @!p0 $0x6400;
	s0 =	sadd.s32 @!p0 $0x200, s31  }
0x30: {  	[tilespmem:s13], [sflag:$0x1] =	stream.indirect.gather @!p0 [hbm4b:s3+s1], $0x40, s0, s1, $0xb8;
	[tilespmem:$0xE400] =	vst v63  }
0x31: {  	_ =	swait.ge [sflag:s18], $0x2000  }
0x32: {  	[sflag:s18] =	ssyncset.done $0x0  }
0x33: {  	s13 =	sadd.s32 $0xFFFFF800, s29;
	s0 =	simm.s32 @!p0 $0x6;
	[sflag:s18] =	ssyncadd.s32 $0xFFFFE000  }
0x34: {  	[hbm4b:s13+s2] =	stream.linear.scatter [tilespmem:s12], [sflag:$0x6], $0x2000, $0x38;
	[tilespmem:$0xE400] =	vst v63  }
0x35: {  	_ =	swait.ge @!p0 [sflag:s0], $0x2000  }
0x36: {  	[sflag:s0] =	ssyncset.done @!p0 $0x0  }
0x37: {  	s13 =	simm.s32 @!p0 $0x8400;
	[sflag:s0] =	ssyncadd.s32 @!p0 $0xFFFFE000;
	s0 =	sadd.s32 @!p0 $0x280, s31  }
0x38: {  	[tilespmem:s13], [sflag:$0x2] =	stream.indirect.gather @!p0 [hbm4b:s3+s1], $0x40, s0, s1, $0xb8;
	[tilespmem:$0xE400] =	vst v63  }
0x39: {  	_ =	swait.ge [sflag:s19], $0x2000  }
0x3a: {  	[sflag:s19] =	ssyncset.done $0x0  }
0x3b: {  	s0 =	simm.s32 @!p0 $0x7;
	[sflag:s19] =	ssyncadd.s32 $0xFFFFE000  }
0x3c: {  	[hbm4b:s28+s2] =	stream.linear.scatter [tilespmem:s14], [sflag:$0x7], $0x2000, $0x38;
	[tilespmem:$0xE400] =	vst v63  }
0x3d: {  	_ =	swait.ge @!p0 [sflag:s0], $0x2000  }
0x3e: {  	[sflag:s0] =	ssyncset.done @!p0 $0x0  }
0x3f: {  	s13 =	simm.s32 @!p0 $0xA400;
	[sflag:s0] =	ssyncadd.s32 @!p0 $0xFFFFE000;
	s0 =	sadd.s32 @!p0 $0x300, s31  }
0x40: {  	[tilespmem:s13], [sflag:$0x3] =	stream.indirect.gather @!p0 [hbm4b:s3+s1], $0x40, s0, s1, $0xb8;
	[tilespmem:$0xE400] =	vst v63  }
.Ltmp2:
0x41: {  	_ = 	snop;
	(pc) =	sbr.rel @p0 .LBB2_4-.Ltmp2, $4  }
0x42: {  	_ =	swait.ge [sflag:s20], $0x2000  }
0x43: {  	[sflag:s20] =	ssyncset.done $0x0  }
0x44: {  	[sflag:s20] =	ssyncadd.s32 $0xFFFFE000  }
0x45: {  	[hbm4b:s29+s2] =	stream.linear.scatter [tilespmem:s16], [sflag:$0x8], $0x2000, $0x38;
	[tilespmem:$0xE400] =	vst v63  }
.Ltmp3:
0x46: {  	(pc) =	sbr.rel .LBB2_2-.Ltmp3, $4  }
0x47: {  	_ =	swait.ge [sflag:s24], $0x2000;
	s0 =	sshra.s32 s30, $0x2;
	s30 =	sadd.s32 $0x800, s30  }
0x48: {  	s29 =	sadd.s32 $0x1000, s29;
	s28 =	sadd.s32 $0x1000, s28;
	[sflag:s24] =	ssyncset.done $0x0  }
0x49: {  	s26 =	sadd.s32 $0x1000, s26;
	s0 =	sadd.s32 $0x380, s0;
	[sflag:s24] =	ssyncadd.s32 $0xFFFFE000  }
0x4a: {  	[tilespmem:s16], [sflag:$0x4] =	stream.indirect.gather [hbm4b:s3+s10], $0x40, s0, s10, $0xb8;
	[tilespmem:$0xE400] =	vst v63  }
.LBB2_5:
0x4b: {  	_ =	sfence.sel $0x180000  }
0x4c: {  	[bflag:$0x0] =	sbarrier.arrive $0xFFFF  }
0x4d: {  	_ =	strace $0x90000047  }
0x4e: {  	s0 =	stileid.u32;
	[bflag:$0x2] =	sbarrier.arrive $0xFFFF  }
0x4f: {  	p0 =	sne.s32 s0, $0x0;
	s0 =	rddreg [dreg:$0x2]  }
0x50: {  	s0 =	sadd.s32 @!p0 $0x100000, s0  }
0x51: {  	[sflag:s0] =	ssyncadd.tile.s32 @!p0 $0x1;
	_ =	shalt  }
.Lfunc_end2:
_tile_overlayer_lowered:
.L_overlay_start_2:
0x52: {  	(tag) =	ssettag $0x2  }
0x53: {  	s0 =	rddreg [dreg:$0x0];
	s2 =	stileid.u32  }
0x54: {  	s1 =	rddreg [dreg:$0x1];
	p0 =	sne.s32 s2, $0x0  }
0x55: {  	s3 =	rddreg [dreg:$0x2];
	[bflag:$0x3] =	sbarrier.arrive $0xFFFF;
	s2 =	simm.s32 @!p0 $0x1C09  }
0x56: {  	[timem:s3], [sflag:s2] =	dma.local @!p0 [hbm:s0], s1  }
0x57: {  	s0 =	simm.s32 @!p0 $0x9  }
0x58: {  	_ =	swait.ge @!p0 [sflag:s0], s1  }
0x59: {  	s1 =	ssub.s32 @!p0 $0x0, s1;
	[sflag:s0] =	ssyncset.done @!p0 $0x0  }
0x5a: {  	[sflag:s0] =	ssyncadd.s32 @!p0 s1  }
0x5b: {  	[bflag:$0x3] =	sbarrier.arrive $0xFFFF  }
0x5c: {  	_ =	shalt  }

</sc_bundles>
